<compile_context>
chip_gen: v7x
topology: tpu7x:2x2x1
jax: 0.10.2.dev20260603
libtpu: 0.0.44.dev20260713+nightly
codegen_flags: <defaults>
</compile_context>

<pallas_src>
import functools

import jax
import jax.numpy as jnp
from jax import lax
from jax.experimental import pallas as pl
from jax.experimental.pallas import tpu as pltpu
from jax.experimental.pallas import tpu_sc as plsc

BATCH = 16384
FIELDS = 26
NUM_OUTPUTS = 64

_INFO = plsc.get_sparse_core_info()
NC, NS = _INFO.num_cores, _INFO.num_subcores
NW = NC * NS

B = BATCH * FIELDS
B_PER_W = B // NW
CHUNK = 256
NCHUNK = B_PER_W // CHUNK


NBUF = 4
DEPTH = 2


def _sc_gather(idx3, table):
    mesh = plsc.VectorSubcoreMesh(core_axis_name="c", subcore_axis_name="s")

    @functools.partial(
        pl.kernel,
        out_type=jax.ShapeDtypeStruct((B, NUM_OUTPUTS), jnp.float32),
        mesh=mesh,
        compiler_params=pltpu.CompilerParams(use_tc_tiling_on_sc=False),
        scratch_types=[
            pltpu.VMEM((NCHUNK, CHUNK), jnp.int32),
            pltpu.VMEM((NBUF, CHUNK, NUM_OUTPUTS), jnp.float32),
            pltpu.SemaphoreType.DMA,
            pltpu.SemaphoreType.DMA,
        ],
    )
    def k(idx_hbm, table_hbm, out_hbm, idx_v, rows_v, gsem, wsem):
        wid = lax.axis_index("s") * NC + lax.axis_index("c")
        base = wid * B_PER_W
        pltpu.sync_copy(idx_hbm.at[wid], idx_v)

        def g_start(chunk, slot):
            pltpu.async_copy(table_hbm.at[idx_v.at[chunk]], rows_v.at[slot], gsem)

        def g_wait(chunk, slot):
            pltpu.make_async_copy(
                table_hbm.at[idx_v.at[chunk]], rows_v.at[slot], gsem).wait()

        def out_at(chunk):
            return out_hbm.at[pl.ds(base + chunk * CHUNK, CHUNK)]

        def w_start(chunk, slot):
            pltpu.async_copy(rows_v.at[slot], out_at(chunk), wsem)

        def w_wait(chunk, slot):
            pltpu.make_async_copy(rows_v.at[slot], out_at(chunk), wsem).wait()

        for b in range(DEPTH):
            g_start(b, b)
        for i in range(DEPTH):
            g_wait(i, i)
            w_start(i, i)
            g_start(i + DEPTH, i + DEPTH)

        def body(g, _):
            for bs in range(NBUF):
                i = DEPTH + g * NBUF + bs
                slot = (DEPTH + bs) % NBUF
                g_wait(i, slot)
                w_start(i, slot)
                w_wait(i - DEPTH, bs)
                g_start(i + DEPTH, bs)
            return 0

        lax.fori_loop(0, (NCHUNK - NBUF) // NBUF, body, 0)

        for i in range(NCHUNK - DEPTH, NCHUNK):
            g_wait(i, i % NBUF)
            w_start(i, i % NBUF)
        for i in range(NCHUNK - NBUF, NCHUNK):
            w_wait(i, i % NBUF)

    return k(idx3, table)


@jax.jit
def kernel(inputs, embed0):
    idx3 = inputs.reshape(NW, NCHUNK, CHUNK)
    flat = _sc_gather(idx3, embed0)
    return flat.reshape(BATCH, FIELDS, NUM_OUTPUTS)

# --- scband reference (transcript-rebuilt; emitter-appended) ---
"""Pipeline reference for scband-embedding-31645319037390 (READ-ONLY COPY).

The authoritative reference and input builder live on the scoring server;
editing this copy changes nothing except your own understanding.
"""

import jax, jax.numpy as jnp
import numpy as np

NUM_INPUTS = 1000000
NUM_OUTPUTS = 64
BATCH = 16384
FIELDS = 26

def setup_inputs(seed: int = 0) -> dict:
    key = jax.random.key(seed)
    k1, k2 = jax.random.split(key)
    inputs = jax.random.randint(k1, (BATCH, FIELDS), 0, NUM_INPUTS, dtype=jnp.int64 if jax.config.jax_enable_x64 else jnp.int32).astype(jnp.int32)
    embed0 = jax.random.normal(k2, (NUM_INPUTS, NUM_OUTPUTS), dtype=jnp.float32) * 0.01
    return {"inputs": inputs, "embed0": embed0}

def reference(inputs, embed0):
    # tf.nn.embedding_lookup(embed0, inputs) -> gather rows of embed0
    return jnp.take(embed0, inputs, axis=0)

if __name__ == "__main__":
    import jax
    _d = setup_inputs()
    print(jax.jit(kernel)(*tuple(_d.values())))

</pallas_src>

<mosaic_0001>
#map = affine_map<(d0, d1) -> (0, 0, 0)>
#map1 = affine_map<(d0, d1) -> (0, 0)>
module attributes {stable_mosaic.version = 14 : i64} {
  func.func @k(%arg0: i32, %arg1: i32, %arg2: memref<32x52x256xi32, #tpu.memory_space<hbm>>, %arg3: memref<1000000x64xf32, #tpu.memory_space<hbm>>, %arg4: memref<425984x64xf32, #tpu.memory_space<hbm>>, %arg5: memref<52x256xi32, #tpu.memory_space<vmem>>, %arg6: memref<4x256x64xf32, #tpu.memory_space<vmem>>, %arg7: memref<!tpu.dma_semaphore, #tpu.memory_space<semaphore_mem>>, %arg8: memref<!tpu.dma_semaphore, #tpu.memory_space<semaphore_mem>>) attributes {dimension_semantics = [#tpu.dimension_semantics<core_parallel>, #tpu.dimension_semantics<subcore_parallel>], iteration_bounds = array<i64: 2, 16>, scalar_prefetch = 0 : i64, scratch_operands = 4 : i64, tpu.core_type = #tpu.core_type<sc_vector_subcore>, window_params = [{transform_indices = #map}, {transform_indices = #map1}, {transform_indices = #map1}]} {
    %mul3A = arith.constant 2 : i32
    %mul3A_0 = arith.muli %arg1, %mul3A : i32
    %add3A = arith.addi %mul3A_0, %arg0 : i32
    %mul3A_1 = arith.constant 13312 : i32
    %mul3A_2 = arith.muli %add3A, %mul3A_1 : i32
    "tpu.region"() ({
      %run_scoped3A = tpu.sem_alloc : memref<!tpu.dma_semaphore, #tpu.memory_space<semaphore_mem>>
      %dma_start3A_223 = arith.constant 0 : i32
      %dma_start3A_224 = arith.constant 0 : i32
      %dma_start3A_225 = tpu.memref_slice %arg2[%add3A, %dma_start3A_223, %dma_start3A_224] : memref<32x52x256xi32, #tpu.memory_space<hbm>> -> memref<1x52x256xi32, #tpu.memory_space<hbm>>
      %dma_start3A_226 = tpu.memref_squeeze %dma_start3A_225 : memref<1x52x256xi32, #tpu.memory_space<hbm>> -> memref<52x256xi32, #tpu.memory_space<hbm>>
      %dma_start3A_227 = arith.constant 0 : i32
      %dma_start3A_228 = arith.constant 0 : i32
      %dma_start3A_229 = tpu.memref_slice %arg2[%add3A, %dma_start3A_227, %dma_start3A_228] : memref<32x52x256xi32, #tpu.memory_space<hbm>> -> memref<1x52x256xi32, #tpu.memory_space<hbm>>
      %dma_start3A_230 = tpu.memref_squeeze %dma_start3A_229 : memref<1x52x256xi32, #tpu.memory_space<hbm>> -> memref<52x256xi32, #tpu.memory_space<hbm>>
      tpu.enqueue_dma source(%dma_start3A_230 : memref<52x256xi32, #tpu.memory_space<hbm>>) target(%arg5 : memref<52x256xi32, #tpu.memory_space<vmem>>) target_semaphore(%run_scoped3A : memref<!tpu.dma_semaphore, #tpu.memory_space<semaphore_mem>>)
      %dma_wait3A_231 = arith.constant 0 : i32
      %dma_wait3A_232 = arith.constant 0 : i32
      %dma_wait3A_233 = tpu.memref_slice %arg2[%add3A, %dma_wait3A_231, %dma_wait3A_232] : memref<32x52x256xi32, #tpu.memory_space<hbm>> -> memref<1x52x256xi32, #tpu.memory_space<hbm>>
      %dma_wait3A_234 = tpu.memref_squeeze %dma_wait3A_233 : memref<1x52x256xi32, #tpu.memory_space<hbm>> -> memref<52x256xi32, #tpu.memory_space<hbm>>
      %dma_wait3A_235 = arith.constant 0 : i32
      %dma_wait3A_236 = arith.constant 0 : i32
      %dma_wait3A_237 = tpu.memref_slice %arg2[%add3A, %dma_wait3A_235, %dma_wait3A_236] : memref<32x52x256xi32, #tpu.memory_space<hbm>> -> memref<1x52x256xi32, #tpu.memory_space<hbm>>
      %dma_wait3A_238 = tpu.memref_squeeze %dma_wait3A_237 : memref<1x52x256xi32, #tpu.memory_space<hbm>> -> memref<52x256xi32, #tpu.memory_space<hbm>>
      tpu.wait_dma2 semaphore(%run_scoped3A : memref<!tpu.dma_semaphore, #tpu.memory_space<semaphore_mem>>) src(%dma_wait3A_238 : memref<52x256xi32, #tpu.memory_space<hbm>>) dst(%arg5 : memref<52x256xi32, #tpu.memory_space<vmem>>)
      tpu.yield
    }) : () -> ()
    %dma_start3A = arith.constant 0 : i32
    %dma_start3A_3 = arith.constant 0 : i32
    %dma_start3A_4 = arith.constant 0 : i32
    %dma_start3A_5 = arith.constant 0 : i32
    %dma_start3A_6 = tpu.memref_slice %arg6[%dma_start3A_3, %dma_start3A_4, %dma_start3A_5] : memref<4x256x64xf32, #tpu.memory_space<vmem>> -> memref<1x256x64xf32, #tpu.memory_space<vmem>>
    %dma_start3A_7 = tpu.memref_squeeze %dma_start3A_6 : memref<1x256x64xf32, #tpu.memory_space<vmem>> -> memref<256x64xf32, #tpu.memory_space<vmem>>
    %dma_start3A_8 = arith.constant 0 : i32
    %dma_start3A_9 = tpu.memref_slice %arg5[%dma_start3A, %dma_start3A_8] : memref<52x256xi32, #tpu.memory_space<vmem>> -> memref<1x256xi32, #tpu.memory_space<vmem>>
    %dma_start3A_10 = tpu.memref_squeeze %dma_start3A_9 : memref<1x256xi32, #tpu.memory_space<vmem>> -> memref<256xi32, #tpu.memory_space<vmem>>
    %dma_start3A_11 = arith.constant 0 : i32
    %dma_start3A_12 = arith.constant 0 : i32
    %dma_start3A_13 = tpu.memref_slice %arg3[%dma_start3A_11, %dma_start3A_12] : memref<1000000x64xf32, #tpu.memory_space<hbm>> -> memref<1000000x64xf32, #tpu.memory_space<hbm>>
    tpu.enqueue_indirect_dma source(%dma_start3A_13 : memref<1000000x64xf32, #tpu.memory_space<hbm>>) target(%dma_start3A_7 : memref<256x64xf32, #tpu.memory_space<vmem>>) offsets(%dma_start3A_10 : memref<256xi32, #tpu.memory_space<vmem>>) semaphore(%arg7 : memref<!tpu.dma_semaphore, #tpu.memory_space<semaphore_mem>>)
    %dma_start3A_14 = arith.constant 1 : i32
    %dma_start3A_15 = arith.constant 1 : i32
    %dma_start3A_16 = arith.constant 0 : i32
    %dma_start3A_17 = arith.constant 0 : i32
    %dma_start3A_18 = tpu.memref_slice %arg6[%dma_start3A_15, %dma_start3A_16, %dma_start3A_17] : memref<4x256x64xf32, #tpu.memory_space<vmem>> -> memref<1x256x64xf32, #tpu.memory_space<vmem>>
    %dma_start3A_19 = tpu.memref_squeeze %dma_start3A_18 : memref<1x256x64xf32, #tpu.memory_space<vmem>> -> memref<256x64xf32, #tpu.memory_space<vmem>>
    %dma_start3A_20 = arith.constant 0 : i32
    %dma_start3A_21 = tpu.memref_slice %arg5[%dma_start3A_14, %dma_start3A_20] : memref<52x256xi32, #tpu.memory_space<vmem>> -> memref<1x256xi32, #tpu.memory_space<vmem>>
    %dma_start3A_22 = tpu.memref_squeeze %dma_start3A_21 : memref<1x256xi32, #tpu.memory_space<vmem>> -> memref<256xi32, #tpu.memory_space<vmem>>
    %dma_start3A_23 = arith.constant 0 : i32
    %dma_start3A_24 = arith.constant 0 : i32
    %dma_start3A_25 = tpu.memref_slice %arg3[%dma_start3A_23, %dma_start3A_24] : memref<1000000x64xf32, #tpu.memory_space<hbm>> -> memref<1000000x64xf32, #tpu.memory_space<hbm>>
    tpu.enqueue_indirect_dma source(%dma_start3A_25 : memref<1000000x64xf32, #tpu.memory_space<hbm>>) target(%dma_start3A_19 : memref<256x64xf32, #tpu.memory_space<vmem>>) offsets(%dma_start3A_22 : memref<256xi32, #tpu.memory_space<vmem>>) semaphore(%arg7 : memref<!tpu.dma_semaphore, #tpu.memory_space<semaphore_mem>>)
    %dma_wait3A = arith.constant 0 : i32
    %dma_wait3A_26 = arith.constant 0 : i32
    %dma_wait3A_27 = arith.constant 0 : i32
    %dma_wait3A_28 = arith.constant 0 : i32
    %dma_wait3A_29 = tpu.memref_slice %arg6[%dma_wait3A_26, %dma_wait3A_27, %dma_wait3A_28] : memref<4x256x64xf32, #tpu.memory_space<vmem>> -> memref<1x256x64xf32, #tpu.memory_space<vmem>>
    %dma_wait3A_30 = tpu.memref_squeeze %dma_wait3A_29 : memref<1x256x64xf32, #tpu.memory_space<vmem>> -> memref<256x64xf32, #tpu.memory_space<vmem>>
    %dma_wait3A_31 = arith.constant 0 : i32
    %dma_wait3A_32 = tpu.memref_slice %arg5[%dma_wait3A, %dma_wait3A_31] : memref<52x256xi32, #tpu.memory_space<vmem>> -> memref<1x256xi32, #tpu.memory_space<vmem>>
    %dma_wait3A_33 = tpu.memref_squeeze %dma_wait3A_32 : memref<1x256xi32, #tpu.memory_space<vmem>> -> memref<256xi32, #tpu.memory_space<vmem>>
    %dma_wait3A_34 = arith.constant 0 : i32
    %dma_wait3A_35 = arith.constant 0 : i32
    %dma_wait3A_36 = tpu.memref_slice %arg3[%dma_wait3A_34, %dma_wait3A_35] : memref<1000000x64xf32, #tpu.memory_space<hbm>> -> memref<1000000x64xf32, #tpu.memory_space<hbm>>
    tpu.wait_indirect_dma semaphore(%arg7 : memref<!tpu.dma_semaphore, #tpu.memory_space<semaphore_mem>>) src(%dma_wait3A_36 : memref<1000000x64xf32, #tpu.memory_space<hbm>>) dst(%dma_wait3A_30 : memref<256x64xf32, #tpu.memory_space<vmem>>)
    %add3A_37 = arith.constant 0 : i32
    %add3A_38 = arith.addi %mul3A_2, %add3A_37 : i32
    %dma_start3A_39 = arith.constant 0 : i32
    %dma_start3A_40 = arith.constant 0 : i32
    %dma_start3A_41 = arith.constant 0 : i32
    %dma_start3A_42 = tpu.memref_slice %arg6[%dma_start3A_39, %dma_start3A_40, %dma_start3A_41] : memref<4x256x64xf32, #tpu.memory_space<vmem>> -> memref<1x256x64xf32, #tpu.memory_space<vmem>>
    %dma_start3A_43 = tpu.memref_squeeze %dma_start3A_42 : memref<1x256x64xf32, #tpu.memory_space<vmem>> -> memref<256x64xf32, #tpu.memory_space<vmem>>
    %dma_start3A_44 = arith.constant 0 : i32
    %dma_start3A_45 = tpu.memref_slice %arg4[%add3A_38, %dma_start3A_44] : memref<425984x64xf32, #tpu.memory_space<hbm>> -> memref<256x64xf32, #tpu.memory_space<hbm>>
    %dma_start3A_46 = arith.constant 0 : i32
    %dma_start3A_47 = tpu.memref_slice %arg4[%add3A_38, %dma_start3A_46] : memref<425984x64xf32, #tpu.memory_space<hbm>> -> memref<256x64xf32, #tpu.memory_space<hbm>>
    %dma_start3A_48 = arith.constant 0 : i32
    %dma_start3A_49 = arith.constant 0 : i32
    %dma_start3A_50 = tpu.memref_slice %arg6[%dma_start3A_39, %dma_start3A_48, %dma_start3A_49] : memref<4x256x64xf32, #tpu.memory_space<vmem>> -> memref<1x256x64xf32, #tpu.memory_space<vmem>>
    %dma_start3A_51 = tpu.memref_squeeze %dma_start3A_50 : memref<1x256x64xf32, #tpu.memory_space<vmem>> -> memref<256x64xf32, #tpu.memory_space<vmem>>
    tpu.enqueue_dma source(%dma_start3A_51 : memref<256x64xf32, #tpu.memory_space<vmem>>) target(%dma_start3A_47 : memref<256x64xf32, #tpu.memory_space<hbm>>) target_semaphore(%arg8 : memref<!tpu.dma_semaphore, #tpu.memory_space<semaphore_mem>>)
    %dma_start3A_52 = arith.constant 2 : i32
    %dma_start3A_53 = arith.constant 2 : i32
    %dma_start3A_54 = arith.constant 0 : i32
    %dma_start3A_55 = arith.constant 0 : i32
    %dma_start3A_56 = tpu.memref_slice %arg6[%dma_start3A_53, %dma_start3A_54, %dma_start3A_55] : memref<4x256x64xf32, #tpu.memory_space<vmem>> -> memref<1x256x64xf32, #tpu.memory_space<vmem>>
    %dma_start3A_57 = tpu.memref_squeeze %dma_start3A_56 : memref<1x256x64xf32, #tpu.memory_space<vmem>> -> memref<256x64xf32, #tpu.memory_space<vmem>>
    %dma_start3A_58 = arith.constant 0 : i32
    %dma_start3A_59 = tpu.memref_slice %arg5[%dma_start3A_52, %dma_start3A_58] : memref<52x256xi32, #tpu.memory_space<vmem>> -> memref<1x256xi32, #tpu.memory_space<vmem>>
    %dma_start3A_60 = tpu.memref_squeeze %dma_start3A_59 : memref<1x256xi32, #tpu.memory_space<vmem>> -> memref<256xi32, #tpu.memory_space<vmem>>
    %dma_start3A_61 = arith.constant 0 : i32
    %dma_start3A_62 = arith.constant 0 : i32
    %dma_start3A_63 = tpu.memref_slice %arg3[%dma_start3A_61, %dma_start3A_62] : memref<1000000x64xf32, #tpu.memory_space<hbm>> -> memref<1000000x64xf32, #tpu.memory_space<hbm>>
    tpu.enqueue_indirect_dma source(%dma_start3A_63 : memref<1000000x64xf32, #tpu.memory_space<hbm>>) target(%dma_start3A_57 : memref<256x64xf32, #tpu.memory_space<vmem>>) offsets(%dma_start3A_60 : memref<256xi32, #tpu.memory_space<vmem>>) semaphore(%arg7 : memref<!tpu.dma_semaphore, #tpu.memory_space<semaphore_mem>>)
    %dma_wait3A_64 = arith.constant 1 : i32
    %dma_wait3A_65 = arith.constant 1 : i32
    %dma_wait3A_66 = arith.constant 0 : i32
    %dma_wait3A_67 = arith.constant 0 : i32
    %dma_wait3A_68 = tpu.memref_slice %arg6[%dma_wait3A_65, %dma_wait3A_66, %dma_wait3A_67] : memref<4x256x64xf32, #tpu.memory_space<vmem>> -> memref<1x256x64xf32, #tpu.memory_space<vmem>>
    %dma_wait3A_69 = tpu.memref_squeeze %dma_wait3A_68 : memref<1x256x64xf32, #tpu.memory_space<vmem>> -> memref<256x64xf32, #tpu.memory_space<vmem>>
    %dma_wait3A_70 = arith.constant 0 : i32
    %dma_wait3A_71 = tpu.memref_slice %arg5[%dma_wait3A_64, %dma_wait3A_70] : memref<52x256xi32, #tpu.memory_space<vmem>> -> memref<1x256xi32, #tpu.memory_space<vmem>>
    %dma_wait3A_72 = tpu.memref_squeeze %dma_wait3A_71 : memref<1x256xi32, #tpu.memory_space<vmem>> -> memref<256xi32, #tpu.memory_space<vmem>>
    %dma_wait3A_73 = arith.constant 0 : i32
    %dma_wait3A_74 = arith.constant 0 : i32
    %dma_wait3A_75 = tpu.memref_slice %arg3[%dma_wait3A_73, %dma_wait3A_74] : memref<1000000x64xf32, #tpu.memory_space<hbm>> -> memref<1000000x64xf32, #tpu.memory_space<hbm>>
    tpu.wait_indirect_dma semaphore(%arg7 : memref<!tpu.dma_semaphore, #tpu.memory_space<semaphore_mem>>) src(%dma_wait3A_75 : memref<1000000x64xf32, #tpu.memory_space<hbm>>) dst(%dma_wait3A_69 : memref<256x64xf32, #tpu.memory_space<vmem>>)
    %add3A_76 = arith.constant 256 : i32
    %add3A_77 = arith.addi %mul3A_2, %add3A_76 : i32
    %dma_start3A_78 = arith.constant 1 : i32
    %dma_start3A_79 = arith.constant 0 : i32
    %dma_start3A_80 = arith.constant 0 : i32
    %dma_start3A_81 = tpu.memref_slice %arg6[%dma_start3A_78, %dma_start3A_79, %dma_start3A_80] : memref<4x256x64xf32, #tpu.memory_space<vmem>> -> memref<1x256x64xf32, #tpu.memory_space<vmem>>
    %dma_start3A_82 = tpu.memref_squeeze %dma_start3A_81 : memref<1x256x64xf32, #tpu.memory_space<vmem>> -> memref<256x64xf32, #tpu.memory_space<vmem>>
    %dma_start3A_83 = arith.constant 0 : i32
    %dma_start3A_84 = tpu.memref_slice %arg4[%add3A_77, %dma_start3A_83] : memref<425984x64xf32, #tpu.memory_space<hbm>> -> memref<256x64xf32, #tpu.memory_space<hbm>>
    %dma_start3A_85 = arith.constant 0 : i32
    %dma_start3A_86 = tpu.memref_slice %arg4[%add3A_77, %dma_start3A_85] : memref<425984x64xf32, #tpu.memory_space<hbm>> -> memref<256x64xf32, #tpu.memory_space<hbm>>
    %dma_start3A_87 = arith.constant 0 : i32
    %dma_start3A_88 = arith.constant 0 : i32
    %dma_start3A_89 = tpu.memref_slice %arg6[%dma_start3A_78, %dma_start3A_87, %dma_start3A_88] : memref<4x256x64xf32, #tpu.memory_space<vmem>> -> memref<1x256x64xf32, #tpu.memory_space<vmem>>
    %dma_start3A_90 = tpu.memref_squeeze %dma_start3A_89 : memref<1x256x64xf32, #tpu.memory_space<vmem>> -> memref<256x64xf32, #tpu.memory_space<vmem>>
    tpu.enqueue_dma source(%dma_start3A_90 : memref<256x64xf32, #tpu.memory_space<vmem>>) target(%dma_start3A_86 : memref<256x64xf32, #tpu.memory_space<hbm>>) target_semaphore(%arg8 : memref<!tpu.dma_semaphore, #tpu.memory_space<semaphore_mem>>)
    %dma_start3A_91 = arith.constant 3 : i32
    %dma_start3A_92 = arith.constant 3 : i32
    %dma_start3A_93 = arith.constant 0 : i32
    %dma_start3A_94 = arith.constant 0 : i32
    %dma_start3A_95 = tpu.memref_slice %arg6[%dma_start3A_92, %dma_start3A_93, %dma_start3A_94] : memref<4x256x64xf32, #tpu.memory_space<vmem>> -> memref<1x256x64xf32, #tpu.memory_space<vmem>>
    %dma_start3A_96 = tpu.memref_squeeze %dma_start3A_95 : memref<1x256x64xf32, #tpu.memory_space<vmem>> -> memref<256x64xf32, #tpu.memory_space<vmem>>
    %dma_start3A_97 = arith.constant 0 : i32
    %dma_start3A_98 = tpu.memref_slice %arg5[%dma_start3A_91, %dma_start3A_97] : memref<52x256xi32, #tpu.memory_space<vmem>> -> memref<1x256xi32, #tpu.memory_space<vmem>>
    %dma_start3A_99 = tpu.memref_squeeze %dma_start3A_98 : memref<1x256xi32, #tpu.memory_space<vmem>> -> memref<256xi32, #tpu.memory_space<vmem>>
    %dma_start3A_100 = arith.constant 0 : i32
    %dma_start3A_101 = arith.constant 0 : i32
    %dma_start3A_102 = tpu.memref_slice %arg3[%dma_start3A_100, %dma_start3A_101] : memref<1000000x64xf32, #tpu.memory_space<hbm>> -> memref<1000000x64xf32, #tpu.memory_space<hbm>>
    tpu.enqueue_indirect_dma source(%dma_start3A_102 : memref<1000000x64xf32, #tpu.memory_space<hbm>>) target(%dma_start3A_96 : memref<256x64xf32, #tpu.memory_space<vmem>>) offsets(%dma_start3A_99 : memref<256xi32, #tpu.memory_space<vmem>>) semaphore(%arg7 : memref<!tpu.dma_semaphore, #tpu.memory_space<semaphore_mem>>)
    %scan3A = arith.constant 0 : i32
    %scan3A_103 = arith.constant 0 : i32
    %scan3A_104 = arith.constant 12 : i32
    %scan3A_105 = arith.addi %scan3A_103, %scan3A_104 : i32
    %scan3A_106 = arith.constant 1 : i32
    %scan3A_107 = scf.for %scan3A_223 = %scan3A_103 to %scan3A_105 step %scan3A_106 iter_args(%scan3A_224 = %scan3A) -> (i32)  : i32 {
      %mul3A_225 = arith.constant 4 : i32
      %mul3A_226 = arith.muli %scan3A_223, %mul3A_225 : i32
      %add3A_227 = arith.constant 2 : i32
      %add3A_228 = arith.addi %add3A_227, %mul3A_226 : i32
      %add3A_229 = arith.constant 0 : i32
      %add3A_230 = arith.addi %add3A_228, %add3A_229 : i32
      %dma_wait3A_231 = arith.constant 2 : i32
      %dma_wait3A_232 = arith.constant 0 : i32
      %dma_wait3A_233 = arith.constant 0 : i32
      %dma_wait3A_234 = tpu.memref_slice %arg6[%dma_wait3A_231, %dma_wait3A_232, %dma_wait3A_233] : memref<4x256x64xf32, #tpu.memory_space<vmem>> -> memref<1x256x64xf32, #tpu.memory_space<vmem>>
      %dma_wait3A_235 = tpu.memref_squeeze %dma_wait3A_234 : memref<1x256x64xf32, #tpu.memory_space<vmem>> -> memref<256x64xf32, #tpu.memory_space<vmem>>
      %dma_wait3A_236 = arith.constant 0 : i32
      %dma_wait3A_237 = tpu.memref_slice %arg5[%add3A_230, %dma_wait3A_236] : memref<52x256xi32, #tpu.memory_space<vmem>> -> memref<1x256xi32, #tpu.memory_space<vmem>>
      %dma_wait3A_238 = tpu.memref_squeeze %dma_wait3A_237 : memref<1x256xi32, #tpu.memory_space<vmem>> -> memref<256xi32, #tpu.memory_space<vmem>>
      %dma_wait3A_239 = arith.constant 0 : i32
      %dma_wait3A_240 = arith.constant 0 : i32
      %dma_wait3A_241 = tpu.memref_slice %arg3[%dma_wait3A_239, %dma_wait3A_240] : memref<1000000x64xf32, #tpu.memory_space<hbm>> -> memref<1000000x64xf32, #tpu.memory_space<hbm>>
      tpu.wait_indirect_dma semaphore(%arg7 : memref<!tpu.dma_semaphore, #tpu.memory_space<semaphore_mem>>) src(%dma_wait3A_241 : memref<1000000x64xf32, #tpu.memory_space<hbm>>) dst(%dma_wait3A_235 : memref<256x64xf32, #tpu.memory_space<vmem>>)
      %mul3A_242 = arith.constant 256 : i32
      %mul3A_243 = arith.muli %add3A_230, %mul3A_242 : i32
      %add3A_244 = arith.addi %mul3A_2, %mul3A_243 : i32
      %dma_start3A_245 = arith.constant 2 : i32
      %dma_start3A_246 = arith.constant 0 : i32
      %dma_start3A_247 = arith.constant 0 : i32
      %dma_start3A_248 = tpu.memref_slice %arg6[%dma_start3A_245, %dma_start3A_246, %dma_start3A_247] : memref<4x256x64xf32, #tpu.memory_space<vmem>> -> memref<1x256x64xf32, #tpu.memory_space<vmem>>
      %dma_start3A_249 = tpu.memref_squeeze %dma_start3A_248 : memref<1x256x64xf32, #tpu.memory_space<vmem>> -> memref<256x64xf32, #tpu.memory_space<vmem>>
      %dma_start3A_250 = arith.constant 0 : i32
      %dma_start3A_251 = tpu.memref_slice %arg4[%add3A_244, %dma_start3A_250] : memref<425984x64xf32, #tpu.memory_space<hbm>> -> memref<256x64xf32, #tpu.memory_space<hbm>>
      %dma_start3A_252 = arith.constant 0 : i32
      %dma_start3A_253 = tpu.memref_slice %arg4[%add3A_244, %dma_start3A_252] : memref<425984x64xf32, #tpu.memory_space<hbm>> -> memref<256x64xf32, #tpu.memory_space<hbm>>
      %dma_start3A_254 = arith.constant 0 : i32
      %dma_start3A_255 = arith.constant 0 : i32
      %dma_start3A_256 = tpu.memref_slice %arg6[%dma_start3A_245, %dma_start3A_254, %dma_start3A_255] : memref<4x256x64xf32, #tpu.memory_space<vmem>> -> memref<1x256x64xf32, #tpu.memory_space<vmem>>
      %dma_start3A_257 = tpu.memref_squeeze %dma_start3A_256 : memref<1x256x64xf32, #tpu.memory_space<vmem>> -> memref<256x64xf32, #tpu.memory_space<vmem>>
      tpu.enqueue_dma source(%dma_start3A_257 : memref<256x64xf32, #tpu.memory_space<vmem>>) target(%dma_start3A_253 : memref<256x64xf32, #tpu.memory_space<hbm>>) target_semaphore(%arg8 : memref<!tpu.dma_semaphore, #tpu.memory_space<semaphore_mem>>)
      %sub3A = arith.constant 2 : i32
      %sub3A_258 = arith.subi %add3A_230, %sub3A : i32
      %mul3A_259 = arith.constant 256 : i32
      %mul3A_260 = arith.muli %sub3A_258, %mul3A_259 : i32
      %add3A_261 = arith.addi %mul3A_2, %mul3A_260 : i32
      %dma_wait3A_262 = arith.constant 0 : i32
      %dma_wait3A_263 = arith.constant 0 : i32
      %dma_wait3A_264 = arith.constant 0 : i32
      %dma_wait3A_265 = tpu.memref_slice %arg6[%dma_wait3A_262, %dma_wait3A_263, %dma_wait3A_264] : memref<4x256x64xf32, #tpu.memory_space<vmem>> -> memref<1x256x64xf32, #tpu.memory_space<vmem>>
      %dma_wait3A_266 = tpu.memref_squeeze %dma_wait3A_265 : memref<1x256x64xf32, #tpu.memory_space<vmem>> -> memref<256x64xf32, #tpu.memory_space<vmem>>
      %dma_wait3A_267 = arith.constant 0 : i32
      %dma_wait3A_268 = tpu.memref_slice %arg4[%add3A_261, %dma_wait3A_267] : memref<425984x64xf32, #tpu.memory_space<hbm>> -> memref<256x64xf32, #tpu.memory_space<hbm>>
      %dma_wait3A_269 = arith.constant 0 : i32
      %dma_wait3A_270 = tpu.memref_slice %arg4[%add3A_261, %dma_wait3A_269] : memref<425984x64xf32, #tpu.memory_space<hbm>> -> memref<256x64xf32, #tpu.memory_space<hbm>>
      %dma_wait3A_271 = arith.constant 0 : i32
      %dma_wait3A_272 = arith.constant 0 : i32
      %dma_wait3A_273 = tpu.memref_slice %arg6[%dma_wait3A_262, %dma_wait3A_271, %dma_wait3A_272] : memref<4x256x64xf32, #tpu.memory_space<vmem>> -> memref<1x256x64xf32, #tpu.memory_space<vmem>>
      %dma_wait3A_274 = tpu.memref_squeeze %dma_wait3A_273 : memref<1x256x64xf32, #tpu.memory_space<vmem>> -> memref<256x64xf32, #tpu.memory_space<vmem>>
      tpu.wait_dma2 semaphore(%arg8 : memref<!tpu.dma_semaphore, #tpu.memory_space<semaphore_mem>>) src(%dma_wait3A_274 : memref<256x64xf32, #tpu.memory_space<vmem>>) dst(%dma_wait3A_270 : memref<256x64xf32, #tpu.memory_space<hbm>>)
      %add3A_275 = arith.constant 2 : i32
      %add3A_276 = arith.addi %add3A_230, %add3A_275 : i32
      %dma_start3A_277 = arith.constant 0 : i32
      %dma_start3A_278 = arith.constant 0 : i32
      %dma_start3A_279 = arith.constant 0 : i32
      %dma_start3A_280 = tpu.memref_slice %arg6[%dma_start3A_277, %dma_start3A_278, %dma_start3A_279] : memref<4x256x64xf32, #tpu.memory_space<vmem>> -> memref<1x256x64xf32, #tpu.memory_space<vmem>>
      %dma_start3A_281 = tpu.memref_squeeze %dma_start3A_280 : memref<1x256x64xf32, #tpu.memory_space<vmem>> -> memref<256x64xf32, #tpu.memory_space<vmem>>
      %dma_start3A_282 = arith.constant 0 : i32
      %dma_start3A_283 = tpu.memref_slice %arg5[%add3A_276, %dma_start3A_282] : memref<52x256xi32, #tpu.memory_space<vmem>> -> memref<1x256xi32, #tpu.memory_space<vmem>>
      %dma_start3A_284 = tpu.memref_squeeze %dma_start3A_283 : memref<1x256xi32, #tpu.memory_space<vmem>> -> memref<256xi32, #tpu.memory_space<vmem>>
      %dma_start3A_285 = arith.constant 0 : i32
      %dma_start3A_286 = arith.constant 0 : i32
      %dma_start3A_287 = tpu.memref_slice %arg3[%dma_start3A_285, %dma_start3A_286] : memref<1000000x64xf32, #tpu.memory_space<hbm>> -> memref<1000000x64xf32, #tpu.memory_space<hbm>>
      tpu.enqueue_indirect_dma source(%dma_start3A_287 : memref<1000000x64xf32, #tpu.memory_space<hbm>>) target(%dma_start3A_281 : memref<256x64xf32, #tpu.memory_space<vmem>>) offsets(%dma_start3A_284 : memref<256xi32, #tpu.memory_space<vmem>>) semaphore(%arg7 : memref<!tpu.dma_semaphore, #tpu.memory_space<semaphore_mem>>)
      %mul3A_288 = arith.constant 4 : i32
      %mul3A_289 = arith.muli %scan3A_223, %mul3A_288 : i32
      %add3A_290 = arith.constant 2 : i32
      %add3A_291 = arith.addi %add3A_290, %mul3A_289 : i32
      %add3A_292 = arith.constant 1 : i32
      %add3A_293 = arith.addi %add3A_291, %add3A_292 : i32
      %dma_wait3A_294 = arith.constant 3 : i32
      %dma_wait3A_295 = arith.constant 0 : i32
      %dma_wait3A_296 = arith.constant 0 : i32
      %dma_wait3A_297 = tpu.memref_slice %arg6[%dma_wait3A_294, %dma_wait3A_295, %dma_wait3A_296] : memref<4x256x64xf32, #tpu.memory_space<vmem>> -> memref<1x256x64xf32, #tpu.memory_space<vmem>>
      %dma_wait3A_298 = tpu.memref_squeeze %dma_wait3A_297 : memref<1x256x64xf32, #tpu.memory_space<vmem>> -> memref<256x64xf32, #tpu.memory_space<vmem>>
      %dma_wait3A_299 = arith.constant 0 : i32
      %dma_wait3A_300 = tpu.memref_slice %arg5[%add3A_293, %dma_wait3A_299] : memref<52x256xi32, #tpu.memory_space<vmem>> -> memref<1x256xi32, #tpu.memory_space<vmem>>
      %dma_wait3A_301 = tpu.memref_squeeze %dma_wait3A_300 : memref<1x256xi32, #tpu.memory_space<vmem>> -> memref<256xi32, #tpu.memory_space<vmem>>
      %dma_wait3A_302 = arith.constant 0 : i32
      %dma_wait3A_303 = arith.constant 0 : i32
      %dma_wait3A_304 = tpu.memref_slice %arg3[%dma_wait3A_302, %dma_wait3A_303] : memref<1000000x64xf32, #tpu.memory_space<hbm>> -> memref<1000000x64xf32, #tpu.memory_space<hbm>>
      tpu.wait_indirect_dma semaphore(%arg7 : memref<!tpu.dma_semaphore, #tpu.memory_space<semaphore_mem>>) src(%dma_wait3A_304 : memref<1000000x64xf32, #tpu.memory_space<hbm>>) dst(%dma_wait3A_298 : memref<256x64xf32, #tpu.memory_space<vmem>>)
      %mul3A_305 = arith.constant 256 : i32
      %mul3A_306 = arith.muli %add3A_293, %mul3A_305 : i32
      %add3A_307 = arith.addi %mul3A_2, %mul3A_306 : i32
      %dma_start3A_308 = arith.constant 3 : i32
      %dma_start3A_309 = arith.constant 0 : i32
      %dma_start3A_310 = arith.constant 0 : i32
      %dma_start3A_311 = tpu.memref_slice %arg6[%dma_start3A_308, %dma_start3A_309, %dma_start3A_310] : memref<4x256x64xf32, #tpu.memory_space<vmem>> -> memref<1x256x64xf32, #tpu.memory_space<vmem>>
      %dma_start3A_312 = tpu.memref_squeeze %dma_start3A_311 : memref<1x256x64xf32, #tpu.memory_space<vmem>> -> memref<256x64xf32, #tpu.memory_space<vmem>>
      %dma_start3A_313 = arith.constant 0 : i32
      %dma_start3A_314 = tpu.memref_slice %arg4[%add3A_307, %dma_start3A_313] : memref<425984x64xf32, #tpu.memory_space<hbm>> -> memref<256x64xf32, #tpu.memory_space<hbm>>
      %dma_start3A_315 = arith.constant 0 : i32
      %dma_start3A_316 = tpu.memref_slice %arg4[%add3A_307, %dma_start3A_315] : memref<425984x64xf32, #tpu.memory_space<hbm>> -> memref<256x64xf32, #tpu.memory_space<hbm>>
      %dma_start3A_317 = arith.constant 0 : i32
      %dma_start3A_318 = arith.constant 0 : i32
      %dma_start3A_319 = tpu.memref_slice %arg6[%dma_start3A_308, %dma_start3A_317, %dma_start3A_318] : memref<4x256x64xf32, #tpu.memory_space<vmem>> -> memref<1x256x64xf32, #tpu.memory_space<vmem>>
      %dma_start3A_320 = tpu.memref_squeeze %dma_start3A_319 : memref<1x256x64xf32, #tpu.memory_space<vmem>> -> memref<256x64xf32, #tpu.memory_space<vmem>>
      tpu.enqueue_dma source(%dma_start3A_320 : memref<256x64xf32, #tpu.memory_space<vmem>>) target(%dma_start3A_316 : memref<256x64xf32, #tpu.memory_space<hbm>>) target_semaphore(%arg8 : memref<!tpu.dma_semaphore, #tpu.memory_space<semaphore_mem>>)
      %sub3A_321 = arith.constant 2 : i32
      %sub3A_322 = arith.subi %add3A_293, %sub3A_321 : i32
      %mul3A_323 = arith.constant 256 : i32
      %mul3A_324 = arith.muli %sub3A_322, %mul3A_323 : i32
      %add3A_325 = arith.addi %mul3A_2, %mul3A_324 : i32
      %dma_wait3A_326 = arith.constant 1 : i32
      %dma_wait3A_327 = arith.constant 0 : i32
      %dma_wait3A_328 = arith.constant 0 : i32
      %dma_wait3A_329 = tpu.memref_slice %arg6[%dma_wait3A_326, %dma_wait3A_327, %dma_wait3A_328] : memref<4x256x64xf32, #tpu.memory_space<vmem>> -> memref<1x256x64xf32, #tpu.memory_space<vmem>>
      %dma_wait3A_330 = tpu.memref_squeeze %dma_wait3A_329 : memref<1x256x64xf32, #tpu.memory_space<vmem>> -> memref<256x64xf32, #tpu.memory_space<vmem>>
      %dma_wait3A_331 = arith.constant 0 : i32
      %dma_wait3A_332 = tpu.memref_slice %arg4[%add3A_325, %dma_wait3A_331] : memref<425984x64xf32, #tpu.memory_space<hbm>> -> memref<256x64xf32, #tpu.memory_space<hbm>>
      %dma_wait3A_333 = arith.constant 0 : i32
      %dma_wait3A_334 = tpu.memref_slice %arg4[%add3A_325, %dma_wait3A_333] : memref<425984x64xf32, #tpu.memory_space<hbm>> -> memref<256x64xf32, #tpu.memory_space<hbm>>
      %dma_wait3A_335 = arith.constant 0 : i32
      %dma_wait3A_336 = arith.constant 0 : i32
      %dma_wait3A_337 = tpu.memref_slice %arg6[%dma_wait3A_326, %dma_wait3A_335, %dma_wait3A_336] : memref<4x256x64xf32, #tpu.memory_space<vmem>> -> memref<1x256x64xf32, #tpu.memory_space<vmem>>
      %dma_wait3A_338 = tpu.memref_squeeze %dma_wait3A_337 : memref<1x256x64xf32, #tpu.memory_space<vmem>> -> memref<256x64xf32, #tpu.memory_space<vmem>>
      tpu.wait_dma2 semaphore(%arg8 : memref<!tpu.dma_semaphore, #tpu.memory_space<semaphore_mem>>) src(%dma_wait3A_338 : memref<256x64xf32, #tpu.memory_space<vmem>>) dst(%dma_wait3A_334 : memref<256x64xf32, #tpu.memory_space<hbm>>)
      %add3A_339 = arith.constant 2 : i32
      %add3A_340 = arith.addi %add3A_293, %add3A_339 : i32
      %dma_start3A_341 = arith.constant 1 : i32
      %dma_start3A_342 = arith.constant 0 : i32
      %dma_start3A_343 = arith.constant 0 : i32
      %dma_start3A_344 = tpu.memref_slice %arg6[%dma_start3A_341, %dma_start3A_342, %dma_start3A_343] : memref<4x256x64xf32, #tpu.memory_space<vmem>> -> memref<1x256x64xf32, #tpu.memory_space<vmem>>
      %dma_start3A_345 = tpu.memref_squeeze %dma_start3A_344 : memref<1x256x64xf32, #tpu.memory_space<vmem>> -> memref<256x64xf32, #tpu.memory_space<vmem>>
      %dma_start3A_346 = arith.constant 0 : i32
      %dma_start3A_347 = tpu.memref_slice %arg5[%add3A_340, %dma_start3A_346] : memref<52x256xi32, #tpu.memory_space<vmem>> -> memref<1x256xi32, #tpu.memory_space<vmem>>
      %dma_start3A_348 = tpu.memref_squeeze %dma_start3A_347 : memref<1x256xi32, #tpu.memory_space<vmem>> -> memref<256xi32, #tpu.memory_space<vmem>>
      %dma_start3A_349 = arith.constant 0 : i32
      %dma_start3A_350 = arith.constant 0 : i32
      %dma_start3A_351 = tpu.memref_slice %arg3[%dma_start3A_349, %dma_start3A_350] : memref<1000000x64xf32, #tpu.memory_space<hbm>> -> memref<1000000x64xf32, #tpu.memory_space<hbm>>
      tpu.enqueue_indirect_dma source(%dma_start3A_351 : memref<1000000x64xf32, #tpu.memory_space<hbm>>) target(%dma_start3A_345 : memref<256x64xf32, #tpu.memory_space<vmem>>) offsets(%dma_start3A_348 : memref<256xi32, #tpu.memory_space<vmem>>) semaphore(%arg7 : memref<!tpu.dma_semaphore, #tpu.memory_space<semaphore_mem>>)
      %mul3A_352 = arith.constant 4 : i32
      %mul3A_353 = arith.muli %scan3A_223, %mul3A_352 : i32
      %add3A_354 = arith.constant 2 : i32
      %add3A_355 = arith.addi %add3A_354, %mul3A_353 : i32
      %add3A_356 = arith.constant 2 : i32
      %add3A_357 = arith.addi %add3A_355, %add3A_356 : i32
      %dma_wait3A_358 = arith.constant 0 : i32
      %dma_wait3A_359 = arith.constant 0 : i32
      %dma_wait3A_360 = arith.constant 0 : i32
      %dma_wait3A_361 = tpu.memref_slice %arg6[%dma_wait3A_358, %dma_wait3A_359, %dma_wait3A_360] : memref<4x256x64xf32, #tpu.memory_space<vmem>> -> memref<1x256x64xf32, #tpu.memory_space<vmem>>
      %dma_wait3A_362 = tpu.memref_squeeze %dma_wait3A_361 : memref<1x256x64xf32, #tpu.memory_space<vmem>> -> memref<256x64xf32, #tpu.memory_space<vmem>>
      %dma_wait3A_363 = arith.constant 0 : i32
      %dma_wait3A_364 = tpu.memref_slice %arg5[%add3A_357, %dma_wait3A_363] : memref<52x256xi32, #tpu.memory_space<vmem>> -> memref<1x256xi32, #tpu.memory_space<vmem>>
      %dma_wait3A_365 = tpu.memref_squeeze %dma_wait3A_364 : memref<1x256xi32, #tpu.memory_space<vmem>> -> memref<256xi32, #tpu.memory_space<vmem>>
      %dma_wait3A_366 = arith.constant 0 : i32
      %dma_wait3A_367 = arith.constant 0 : i32
      %dma_wait3A_368 = tpu.memref_slice %arg3[%dma_wait3A_366, %dma_wait3A_367] : memref<1000000x64xf32, #tpu.memory_space<hbm>> -> memref<1000000x64xf32, #tpu.memory_space<hbm>>
      tpu.wait_indirect_dma semaphore(%arg7 : memref<!tpu.dma_semaphore, #tpu.memory_space<semaphore_mem>>) src(%dma_wait3A_368 : memref<1000000x64xf32, #tpu.memory_space<hbm>>) dst(%dma_wait3A_362 : memref<256x64xf32, #tpu.memory_space<vmem>>)
      %mul3A_369 = arith.constant 256 : i32
      %mul3A_370 = arith.muli %add3A_357, %mul3A_369 : i32
      %add3A_371 = arith.addi %mul3A_2, %mul3A_370 : i32
      %dma_start3A_372 = arith.constant 0 : i32
      %dma_start3A_373 = arith.constant 0 : i32
      %dma_start3A_374 = arith.constant 0 : i32
      %dma_start3A_375 = tpu.memref_slice %arg6[%dma_start3A_372, %dma_start3A_373, %dma_start3A_374] : memref<4x256x64xf32, #tpu.memory_space<vmem>> -> memref<1x256x64xf32, #tpu.memory_space<vmem>>
      %dma_start3A_376 = tpu.memref_squeeze %dma_start3A_375 : memref<1x256x64xf32, #tpu.memory_space<vmem>> -> memref<256x64xf32, #tpu.memory_space<vmem>>
      %dma_start3A_377 = arith.constant 0 : i32
      %dma_start3A_378 = tpu.memref_slice %arg4[%add3A_371, %dma_start3A_377] : memref<425984x64xf32, #tpu.memory_space<hbm>> -> memref<256x64xf32, #tpu.memory_space<hbm>>
      %dma_start3A_379 = arith.constant 0 : i32
      %dma_start3A_380 = tpu.memref_slice %arg4[%add3A_371, %dma_start3A_379] : memref<425984x64xf32, #tpu.memory_space<hbm>> -> memref<256x64xf32, #tpu.memory_space<hbm>>
      %dma_start3A_381 = arith.constant 0 : i32
      %dma_start3A_382 = arith.constant 0 : i32
      %dma_start3A_383 = tpu.memref_slice %arg6[%dma_start3A_372, %dma_start3A_381, %dma_start3A_382] : memref<4x256x64xf32, #tpu.memory_space<vmem>> -> memref<1x256x64xf32, #tpu.memory_space<vmem>>
      %dma_start3A_384 = tpu.memref_squeeze %dma_start3A_383 : memref<1x256x64xf32, #tpu.memory_space<vmem>> -> memref<256x64xf32, #tpu.memory_space<vmem>>
      tpu.enqueue_dma source(%dma_start3A_384 : memref<256x64xf32, #tpu.memory_space<vmem>>) target(%dma_start3A_380 : memref<256x64xf32, #tpu.memory_space<hbm>>) target_semaphore(%arg8 : memref<!tpu.dma_semaphore, #tpu.memory_space<semaphore_mem>>)
      %sub3A_385 = arith.constant 2 : i32
      %sub3A_386 = arith.subi %add3A_357, %sub3A_385 : i32
      %mul3A_387 = arith.constant 256 : i32
      %mul3A_388 = arith.muli %sub3A_386, %mul3A_387 : i32
      %add3A_389 = arith.addi %mul3A_2, %mul3A_388 : i32
      %dma_wait3A_390 = arith.constant 2 : i32
      %dma_wait3A_391 = arith.constant 0 : i32
      %dma_wait3A_392 = arith.constant 0 : i32
      %dma_wait3A_393 = tpu.memref_slice %arg6[%dma_wait3A_390, %dma_wait3A_391, %dma_wait3A_392] : memref<4x256x64xf32, #tpu.memory_space<vmem>> -> memref<1x256x64xf32, #tpu.memory_space<vmem>>
      %dma_wait3A_394 = tpu.memref_squeeze %dma_wait3A_393 : memref<1x256x64xf32, #tpu.memory_space<vmem>> -> memref<256x64xf32, #tpu.memory_space<vmem>>
      %dma_wait3A_395 = arith.constant 0 : i32
      %dma_wait3A_396 = tpu.memref_slice %arg4[%add3A_389, %dma_wait3A_395] : memref<425984x64xf32, #tpu.memory_space<hbm>> -> memref<256x64xf32, #tpu.memory_space<hbm>>
      %dma_wait3A_397 = arith.constant 0 : i32
      %dma_wait3A_398 = tpu.memref_slice %arg4[%add3A_389, %dma_wait3A_397] : memref<425984x64xf32, #tpu.memory_space<hbm>> -> memref<256x64xf32, #tpu.memory_space<hbm>>
      %dma_wait3A_399 = arith.constant 0 : i32
      %dma_wait3A_400 = arith.constant 0 : i32
      %dma_wait3A_401 = tpu.memref_slice %arg6[%dma_wait3A_390, %dma_wait3A_399, %dma_wait3A_400] : memref<4x256x64xf32, #tpu.memory_space<vmem>> -> memref<1x256x64xf32, #tpu.memory_space<vmem>>
      %dma_wait3A_402 = tpu.memref_squeeze %dma_wait3A_401 : memref<1x256x64xf32, #tpu.memory_space<vmem>> -> memref<256x64xf32, #tpu.memory_space<vmem>>
      tpu.wait_dma2 semaphore(%arg8 : memref<!tpu.dma_semaphore, #tpu.memory_space<semaphore_mem>>) src(%dma_wait3A_402 : memref<256x64xf32, #tpu.memory_space<vmem>>) dst(%dma_wait3A_398 : memref<256x64xf32, #tpu.memory_space<hbm>>)
      %add3A_403 = arith.constant 2 : i32
      %add3A_404 = arith.addi %add3A_357, %add3A_403 : i32
      %dma_start3A_405 = arith.constant 2 : i32
      %dma_start3A_406 = arith.constant 0 : i32
      %dma_start3A_407 = arith.constant 0 : i32
      %dma_start3A_408 = tpu.memref_slice %arg6[%dma_start3A_405, %dma_start3A_406, %dma_start3A_407] : memref<4x256x64xf32, #tpu.memory_space<vmem>> -> memref<1x256x64xf32, #tpu.memory_space<vmem>>
      %dma_start3A_409 = tpu.memref_squeeze %dma_start3A_408 : memref<1x256x64xf32, #tpu.memory_space<vmem>> -> memref<256x64xf32, #tpu.memory_space<vmem>>
      %dma_start3A_410 = arith.constant 0 : i32
      %dma_start3A_411 = tpu.memref_slice %arg5[%add3A_404, %dma_start3A_410] : memref<52x256xi32, #tpu.memory_space<vmem>> -> memref<1x256xi32, #tpu.memory_space<vmem>>
      %dma_start3A_412 = tpu.memref_squeeze %dma_start3A_411 : memref<1x256xi32, #tpu.memory_space<vmem>> -> memref<256xi32, #tpu.memory_space<vmem>>
      %dma_start3A_413 = arith.constant 0 : i32
      %dma_start3A_414 = arith.constant 0 : i32
      %dma_start3A_415 = tpu.memref_slice %arg3[%dma_start3A_413, %dma_start3A_414] : memref<1000000x64xf32, #tpu.memory_space<hbm>> -> memref<1000000x64xf32, #tpu.memory_space<hbm>>
      tpu.enqueue_indirect_dma source(%dma_start3A_415 : memref<1000000x64xf32, #tpu.memory_space<hbm>>) target(%dma_start3A_409 : memref<256x64xf32, #tpu.memory_space<vmem>>) offsets(%dma_start3A_412 : memref<256xi32, #tpu.memory_space<vmem>>) semaphore(%arg7 : memref<!tpu.dma_semaphore, #tpu.memory_space<semaphore_mem>>)
      %mul3A_416 = arith.constant 4 : i32
      %mul3A_417 = arith.muli %scan3A_223, %mul3A_416 : i32
      %add3A_418 = arith.constant 2 : i32
      %add3A_419 = arith.addi %add3A_418, %mul3A_417 : i32
      %add3A_420 = arith.constant 3 : i32
      %add3A_421 = arith.addi %add3A_419, %add3A_420 : i32
      %dma_wait3A_422 = arith.constant 1 : i32
      %dma_wait3A_423 = arith.constant 0 : i32
      %dma_wait3A_424 = arith.constant 0 : i32
      %dma_wait3A_425 = tpu.memref_slice %arg6[%dma_wait3A_422, %dma_wait3A_423, %dma_wait3A_424] : memref<4x256x64xf32, #tpu.memory_space<vmem>> -> memref<1x256x64xf32, #tpu.memory_space<vmem>>
      %dma_wait3A_426 = tpu.memref_squeeze %dma_wait3A_425 : memref<1x256x64xf32, #tpu.memory_space<vmem>> -> memref<256x64xf32, #tpu.memory_space<vmem>>
      %dma_wait3A_427 = arith.constant 0 : i32
      %dma_wait3A_428 = tpu.memref_slice %arg5[%add3A_421, %dma_wait3A_427] : memref<52x256xi32, #tpu.memory_space<vmem>> -> memref<1x256xi32, #tpu.memory_space<vmem>>
      %dma_wait3A_429 = tpu.memref_squeeze %dma_wait3A_428 : memref<1x256xi32, #tpu.memory_space<vmem>> -> memref<256xi32, #tpu.memory_space<vmem>>
      %dma_wait3A_430 = arith.constant 0 : i32
      %dma_wait3A_431 = arith.constant 0 : i32
      %dma_wait3A_432 = tpu.memref_slice %arg3[%dma_wait3A_430, %dma_wait3A_431] : memref<1000000x64xf32, #tpu.memory_space<hbm>> -> memref<1000000x64xf32, #tpu.memory_space<hbm>>
      tpu.wait_indirect_dma semaphore(%arg7 : memref<!tpu.dma_semaphore, #tpu.memory_space<semaphore_mem>>) src(%dma_wait3A_432 : memref<1000000x64xf32, #tpu.memory_space<hbm>>) dst(%dma_wait3A_426 : memref<256x64xf32, #tpu.memory_space<vmem>>)
      %mul3A_433 = arith.constant 256 : i32
      %mul3A_434 = arith.muli %add3A_421, %mul3A_433 : i32
      %add3A_435 = arith.addi %mul3A_2, %mul3A_434 : i32
      %dma_start3A_436 = arith.constant 1 : i32
      %dma_start3A_437 = arith.constant 0 : i32
      %dma_start3A_438 = arith.constant 0 : i32
      %dma_start3A_439 = tpu.memref_slice %arg6[%dma_start3A_436, %dma_start3A_437, %dma_start3A_438] : memref<4x256x64xf32, #tpu.memory_space<vmem>> -> memref<1x256x64xf32, #tpu.memory_space<vmem>>
      %dma_start3A_440 = tpu.memref_squeeze %dma_start3A_439 : memref<1x256x64xf32, #tpu.memory_space<vmem>> -> memref<256x64xf32, #tpu.memory_space<vmem>>
      %dma_start3A_441 = arith.constant 0 : i32
      %dma_start3A_442 = tpu.memref_slice %arg4[%add3A_435, %dma_start3A_441] : memref<425984x64xf32, #tpu.memory_space<hbm>> -> memref<256x64xf32, #tpu.memory_space<hbm>>
      %dma_start3A_443 = arith.constant 0 : i32
      %dma_start3A_444 = tpu.memref_slice %arg4[%add3A_435, %dma_start3A_443] : memref<425984x64xf32, #tpu.memory_space<hbm>> -> memref<256x64xf32, #tpu.memory_space<hbm>>
      %dma_start3A_445 = arith.constant 0 : i32
      %dma_start3A_446 = arith.constant 0 : i32
      %dma_start3A_447 = tpu.memref_slice %arg6[%dma_start3A_436, %dma_start3A_445, %dma_start3A_446] : memref<4x256x64xf32, #tpu.memory_space<vmem>> -> memref<1x256x64xf32, #tpu.memory_space<vmem>>
      %dma_start3A_448 = tpu.memref_squeeze %dma_start3A_447 : memref<1x256x64xf32, #tpu.memory_space<vmem>> -> memref<256x64xf32, #tpu.memory_space<vmem>>
      tpu.enqueue_dma source(%dma_start3A_448 : memref<256x64xf32, #tpu.memory_space<vmem>>) target(%dma_start3A_444 : memref<256x64xf32, #tpu.memory_space<hbm>>) target_semaphore(%arg8 : memref<!tpu.dma_semaphore, #tpu.memory_space<semaphore_mem>>)
      %sub3A_449 = arith.constant 2 : i32
      %sub3A_450 = arith.subi %add3A_421, %sub3A_449 : i32
      %mul3A_451 = arith.constant 256 : i32
      %mul3A_452 = arith.muli %sub3A_450, %mul3A_451 : i32
      %add3A_453 = arith.addi %mul3A_2, %mul3A_452 : i32
      %dma_wait3A_454 = arith.constant 3 : i32
      %dma_wait3A_455 = arith.constant 0 : i32
      %dma_wait3A_456 = arith.constant 0 : i32
      %dma_wait3A_457 = tpu.memref_slice %arg6[%dma_wait3A_454, %dma_wait3A_455, %dma_wait3A_456] : memref<4x256x64xf32, #tpu.memory_space<vmem>> -> memref<1x256x64xf32, #tpu.memory_space<vmem>>
      %dma_wait3A_458 = tpu.memref_squeeze %dma_wait3A_457 : memref<1x256x64xf32, #tpu.memory_space<vmem>> -> memref<256x64xf32, #tpu.memory_space<vmem>>
      %dma_wait3A_459 = arith.constant 0 : i32
      %dma_wait3A_460 = tpu.memref_slice %arg4[%add3A_453, %dma_wait3A_459] : memref<425984x64xf32, #tpu.memory_space<hbm>> -> memref<256x64xf32, #tpu.memory_space<hbm>>
      %dma_wait3A_461 = arith.constant 0 : i32
      %dma_wait3A_462 = tpu.memref_slice %arg4[%add3A_453, %dma_wait3A_461] : memref<425984x64xf32, #tpu.memory_space<hbm>> -> memref<256x64xf32, #tpu.memory_space<hbm>>
      %dma_wait3A_463 = arith.constant 0 : i32
      %dma_wait3A_464 = arith.constant 0 : i32
      %dma_wait3A_465 = tpu.memref_slice %arg6[%dma_wait3A_454, %dma_wait3A_463, %dma_wait3A_464] : memref<4x256x64xf32, #tpu.memory_space<vmem>> -> memref<1x256x64xf32, #tpu.memory_space<vmem>>
      %dma_wait3A_466 = tpu.memref_squeeze %dma_wait3A_465 : memref<1x256x64xf32, #tpu.memory_space<vmem>> -> memref<256x64xf32, #tpu.memory_space<vmem>>
      tpu.wait_dma2 semaphore(%arg8 : memref<!tpu.dma_semaphore, #tpu.memory_space<semaphore_mem>>) src(%dma_wait3A_466 : memref<256x64xf32, #tpu.memory_space<vmem>>) dst(%dma_wait3A_462 : memref<256x64xf32, #tpu.memory_space<hbm>>)
      %add3A_467 = arith.constant 2 : i32
      %add3A_468 = arith.addi %add3A_421, %add3A_467 : i32
      %dma_start3A_469 = arith.constant 3 : i32
      %dma_start3A_470 = arith.constant 0 : i32
      %dma_start3A_471 = arith.constant 0 : i32
      %dma_start3A_472 = tpu.memref_slice %arg6[%dma_start3A_469, %dma_start3A_470, %dma_start3A_471] : memref<4x256x64xf32, #tpu.memory_space<vmem>> -> memref<1x256x64xf32, #tpu.memory_space<vmem>>
      %dma_start3A_473 = tpu.memref_squeeze %dma_start3A_472 : memref<1x256x64xf32, #tpu.memory_space<vmem>> -> memref<256x64xf32, #tpu.memory_space<vmem>>
      %dma_start3A_474 = arith.constant 0 : i32
      %dma_start3A_475 = tpu.memref_slice %arg5[%add3A_468, %dma_start3A_474] : memref<52x256xi32, #tpu.memory_space<vmem>> -> memref<1x256xi32, #tpu.memory_space<vmem>>
      %dma_start3A_476 = tpu.memref_squeeze %dma_start3A_475 : memref<1x256xi32, #tpu.memory_space<vmem>> -> memref<256xi32, #tpu.memory_space<vmem>>
      %dma_start3A_477 = arith.constant 0 : i32
      %dma_start3A_478 = arith.constant 0 : i32
      %dma_start3A_479 = tpu.memref_slice %arg3[%dma_start3A_477, %dma_start3A_478] : memref<1000000x64xf32, #tpu.memory_space<hbm>> -> memref<1000000x64xf32, #tpu.memory_space<hbm>>
      tpu.enqueue_indirect_dma source(%dma_start3A_479 : memref<1000000x64xf32, #tpu.memory_space<hbm>>) target(%dma_start3A_473 : memref<256x64xf32, #tpu.memory_space<vmem>>) offsets(%dma_start3A_476 : memref<256xi32, #tpu.memory_space<vmem>>) semaphore(%arg7 : memref<!tpu.dma_semaphore, #tpu.memory_space<semaphore_mem>>)
      %scan3A_480 = arith.constant 0 : i32
      scf.yield %scan3A_480 : i32
    }
    %scan3A_108 = arith.constant 12 : i32
    %dma_wait3A_109 = arith.constant 50 : i32
    %dma_wait3A_110 = arith.constant 2 : i32
    %dma_wait3A_111 = arith.constant 0 : i32
    %dma_wait3A_112 = arith.constant 0 : i32
    %dma_wait3A_113 = tpu.memref_slice %arg6[%dma_wait3A_110, %dma_wait3A_111, %dma_wait3A_112] : memref<4x256x64xf32, #tpu.memory_space<vmem>> -> memref<1x256x64xf32, #tpu.memory_space<vmem>>
    %dma_wait3A_114 = tpu.memref_squeeze %dma_wait3A_113 : memref<1x256x64xf32, #tpu.memory_space<vmem>> -> memref<256x64xf32, #tpu.memory_space<vmem>>
    %dma_wait3A_115 = arith.constant 0 : i32
    %dma_wait3A_116 = tpu.memref_slice %arg5[%dma_wait3A_109, %dma_wait3A_115] : memref<52x256xi32, #tpu.memory_space<vmem>> -> memref<1x256xi32, #tpu.memory_space<vmem>>
    %dma_wait3A_117 = tpu.memref_squeeze %dma_wait3A_116 : memref<1x256xi32, #tpu.memory_space<vmem>> -> memref<256xi32, #tpu.memory_space<vmem>>
    %dma_wait3A_118 = arith.constant 0 : i32
    %dma_wait3A_119 = arith.constant 0 : i32
    %dma_wait3A_120 = tpu.memref_slice %arg3[%dma_wait3A_118, %dma_wait3A_119] : memref<1000000x64xf32, #tpu.memory_space<hbm>> -> memref<1000000x64xf32, #tpu.memory_space<hbm>>
    tpu.wait_indirect_dma semaphore(%arg7 : memref<!tpu.dma_semaphore, #tpu.memory_space<semaphore_mem>>) src(%dma_wait3A_120 : memref<1000000x64xf32, #tpu.memory_space<hbm>>) dst(%dma_wait3A_114 : memref<256x64xf32, #tpu.memory_space<vmem>>)
    %add3A_121 = arith.constant 12800 : i32
    %add3A_122 = arith.addi %mul3A_2, %add3A_121 : i32
    %dma_start3A_123 = arith.constant 2 : i32
    %dma_start3A_124 = arith.constant 0 : i32
    %dma_start3A_125 = arith.constant 0 : i32
    %dma_start3A_126 = tpu.memref_slice %arg6[%dma_start3A_123, %dma_start3A_124, %dma_start3A_125] : memref<4x256x64xf32, #tpu.memory_space<vmem>> -> memref<1x256x64xf32, #tpu.memory_space<vmem>>
    %dma_start3A_127 = tpu.memref_squeeze %dma_start3A_126 : memref<1x256x64xf32, #tpu.memory_space<vmem>> -> memref<256x64xf32, #tpu.memory_space<vmem>>
    %dma_start3A_128 = arith.constant 0 : i32
    %dma_start3A_129 = tpu.memref_slice %arg4[%add3A_122, %dma_start3A_128] : memref<425984x64xf32, #tpu.memory_space<hbm>> -> memref<256x64xf32, #tpu.memory_space<hbm>>
    %dma_start3A_130 = arith.constant 0 : i32
    %dma_start3A_131 = tpu.memref_slice %arg4[%add3A_122, %dma_start3A_130] : memref<425984x64xf32, #tpu.memory_space<hbm>> -> memref<256x64xf32, #tpu.memory_space<hbm>>
    %dma_start3A_132 = arith.constant 0 : i32
    %dma_start3A_133 = arith.constant 0 : i32
    %dma_start3A_134 = tpu.memref_slice %arg6[%dma_start3A_123, %dma_start3A_132, %dma_start3A_133] : memref<4x256x64xf32, #tpu.memory_space<vmem>> -> memref<1x256x64xf32, #tpu.memory_space<vmem>>
    %dma_start3A_135 = tpu.memref_squeeze %dma_start3A_134 : memref<1x256x64xf32, #tpu.memory_space<vmem>> -> memref<256x64xf32, #tpu.memory_space<vmem>>
    tpu.enqueue_dma source(%dma_start3A_135 : memref<256x64xf32, #tpu.memory_space<vmem>>) target(%dma_start3A_131 : memref<256x64xf32, #tpu.memory_space<hbm>>) target_semaphore(%arg8 : memref<!tpu.dma_semaphore, #tpu.memory_space<semaphore_mem>>)
    %dma_wait3A_136 = arith.constant 51 : i32
    %dma_wait3A_137 = arith.constant 3 : i32
    %dma_wait3A_138 = arith.constant 0 : i32
    %dma_wait3A_139 = arith.constant 0 : i32
    %dma_wait3A_140 = tpu.memref_slice %arg6[%dma_wait3A_137, %dma_wait3A_138, %dma_wait3A_139] : memref<4x256x64xf32, #tpu.memory_space<vmem>> -> memref<1x256x64xf32, #tpu.memory_space<vmem>>
    %dma_wait3A_141 = tpu.memref_squeeze %dma_wait3A_140 : memref<1x256x64xf32, #tpu.memory_space<vmem>> -> memref<256x64xf32, #tpu.memory_space<vmem>>
    %dma_wait3A_142 = arith.constant 0 : i32
    %dma_wait3A_143 = tpu.memref_slice %arg5[%dma_wait3A_136, %dma_wait3A_142] : memref<52x256xi32, #tpu.memory_space<vmem>> -> memref<1x256xi32, #tpu.memory_space<vmem>>
    %dma_wait3A_144 = tpu.memref_squeeze %dma_wait3A_143 : memref<1x256xi32, #tpu.memory_space<vmem>> -> memref<256xi32, #tpu.memory_space<vmem>>
    %dma_wait3A_145 = arith.constant 0 : i32
    %dma_wait3A_146 = arith.constant 0 : i32
    %dma_wait3A_147 = tpu.memref_slice %arg3[%dma_wait3A_145, %dma_wait3A_146] : memref<1000000x64xf32, #tpu.memory_space<hbm>> -> memref<1000000x64xf32, #tpu.memory_space<hbm>>
    tpu.wait_indirect_dma semaphore(%arg7 : memref<!tpu.dma_semaphore, #tpu.memory_space<semaphore_mem>>) src(%dma_wait3A_147 : memref<1000000x64xf32, #tpu.memory_space<hbm>>) dst(%dma_wait3A_141 : memref<256x64xf32, #tpu.memory_space<vmem>>)
    %add3A_148 = arith.constant 13056 : i32
    %add3A_149 = arith.addi %mul3A_2, %add3A_148 : i32
    %dma_start3A_150 = arith.constant 3 : i32
    %dma_start3A_151 = arith.constant 0 : i32
    %dma_start3A_152 = arith.constant 0 : i32
    %dma_start3A_153 = tpu.memref_slice %arg6[%dma_start3A_150, %dma_start3A_151, %dma_start3A_152] : memref<4x256x64xf32, #tpu.memory_space<vmem>> -> memref<1x256x64xf32, #tpu.memory_space<vmem>>
    %dma_start3A_154 = tpu.memref_squeeze %dma_start3A_153 : memref<1x256x64xf32, #tpu.memory_space<vmem>> -> memref<256x64xf32, #tpu.memory_space<vmem>>
    %dma_start3A_155 = arith.constant 0 : i32
    %dma_start3A_156 = tpu.memref_slice %arg4[%add3A_149, %dma_start3A_155] : memref<425984x64xf32, #tpu.memory_space<hbm>> -> memref<256x64xf32, #tpu.memory_space<hbm>>
    %dma_start3A_157 = arith.constant 0 : i32
    %dma_start3A_158 = tpu.memref_slice %arg4[%add3A_149, %dma_start3A_157] : memref<425984x64xf32, #tpu.memory_space<hbm>> -> memref<256x64xf32, #tpu.memory_space<hbm>>
    %dma_start3A_159 = arith.constant 0 : i32
    %dma_start3A_160 = arith.constant 0 : i32
    %dma_start3A_161 = tpu.memref_slice %arg6[%dma_start3A_150, %dma_start3A_159, %dma_start3A_160] : memref<4x256x64xf32, #tpu.memory_space<vmem>> -> memref<1x256x64xf32, #tpu.memory_space<vmem>>
    %dma_start3A_162 = tpu.memref_squeeze %dma_start3A_161 : memref<1x256x64xf32, #tpu.memory_space<vmem>> -> memref<256x64xf32, #tpu.memory_space<vmem>>
    tpu.enqueue_dma source(%dma_start3A_162 : memref<256x64xf32, #tpu.memory_space<vmem>>) target(%dma_start3A_158 : memref<256x64xf32, #tpu.memory_space<hbm>>) target_semaphore(%arg8 : memref<!tpu.dma_semaphore, #tpu.memory_space<semaphore_mem>>)
    %add3A_163 = arith.constant 12288 : i32
    %add3A_164 = arith.addi %mul3A_2, %add3A_163 : i32
    %dma_wait3A_165 = arith.constant 0 : i32
    %dma_wait3A_166 = arith.constant 0 : i32
    %dma_wait3A_167 = arith.constant 0 : i32
    %dma_wait3A_168 = tpu.memref_slice %arg6[%dma_wait3A_165, %dma_wait3A_166, %dma_wait3A_167] : memref<4x256x64xf32, #tpu.memory_space<vmem>> -> memref<1x256x64xf32, #tpu.memory_space<vmem>>
    %dma_wait3A_169 = tpu.memref_squeeze %dma_wait3A_168 : memref<1x256x64xf32, #tpu.memory_space<vmem>> -> memref<256x64xf32, #tpu.memory_space<vmem>>
    %dma_wait3A_170 = arith.constant 0 : i32
    %dma_wait3A_171 = tpu.memref_slice %arg4[%add3A_164, %dma_wait3A_170] : memref<425984x64xf32, #tpu.memory_space<hbm>> -> memref<256x64xf32, #tpu.memory_space<hbm>>
    %dma_wait3A_172 = arith.constant 0 : i32
    %dma_wait3A_173 = tpu.memref_slice %arg4[%add3A_164, %dma_wait3A_172] : memref<425984x64xf32, #tpu.memory_space<hbm>> -> memref<256x64xf32, #tpu.memory_space<hbm>>
    %dma_wait3A_174 = arith.constant 0 : i32
    %dma_wait3A_175 = arith.constant 0 : i32
    %dma_wait3A_176 = tpu.memref_slice %arg6[%dma_wait3A_165, %dma_wait3A_174, %dma_wait3A_175] : memref<4x256x64xf32, #tpu.memory_space<vmem>> -> memref<1x256x64xf32, #tpu.memory_space<vmem>>
    %dma_wait3A_177 = tpu.memref_squeeze %dma_wait3A_176 : memref<1x256x64xf32, #tpu.memory_space<vmem>> -> memref<256x64xf32, #tpu.memory_space<vmem>>
    tpu.wait_dma2 semaphore(%arg8 : memref<!tpu.dma_semaphore, #tpu.memory_space<semaphore_mem>>) src(%dma_wait3A_177 : memref<256x64xf32, #tpu.memory_space<vmem>>) dst(%dma_wait3A_173 : memref<256x64xf32, #tpu.memory_space<hbm>>)
    %add3A_178 = arith.constant 12544 : i32
    %add3A_179 = arith.addi %mul3A_2, %add3A_178 : i32
    %dma_wait3A_180 = arith.constant 1 : i32
    %dma_wait3A_181 = arith.constant 0 : i32
    %dma_wait3A_182 = arith.constant 0 : i32
    %dma_wait3A_183 = tpu.memref_slice %arg6[%dma_wait3A_180, %dma_wait3A_181, %dma_wait3A_182] : memref<4x256x64xf32, #tpu.memory_space<vmem>> -> memref<1x256x64xf32, #tpu.memory_space<vmem>>
    %dma_wait3A_184 = tpu.memref_squeeze %dma_wait3A_183 : memref<1x256x64xf32, #tpu.memory_space<vmem>> -> memref<256x64xf32, #tpu.memory_space<vmem>>
    %dma_wait3A_185 = arith.constant 0 : i32
    %dma_wait3A_186 = tpu.memref_slice %arg4[%add3A_179, %dma_wait3A_185] : memref<425984x64xf32, #tpu.memory_space<hbm>> -> memref<256x64xf32, #tpu.memory_space<hbm>>
    %dma_wait3A_187 = arith.constant 0 : i32
    %dma_wait3A_188 = tpu.memref_slice %arg4[%add3A_179, %dma_wait3A_187] : memref<425984x64xf32, #tpu.memory_space<hbm>> -> memref<256x64xf32, #tpu.memory_space<hbm>>
    %dma_wait3A_189 = arith.constant 0 : i32
    %dma_wait3A_190 = arith.constant 0 : i32
    %dma_wait3A_191 = tpu.memref_slice %arg6[%dma_wait3A_180, %dma_wait3A_189, %dma_wait3A_190] : memref<4x256x64xf32, #tpu.memory_space<vmem>> -> memref<1x256x64xf32, #tpu.memory_space<vmem>>
    %dma_wait3A_192 = tpu.memref_squeeze %dma_wait3A_191 : memref<1x256x64xf32, #tpu.memory_space<vmem>> -> memref<256x64xf32, #tpu.memory_space<vmem>>
    tpu.wait_dma2 semaphore(%arg8 : memref<!tpu.dma_semaphore, #tpu.memory_space<semaphore_mem>>) src(%dma_wait3A_192 : memref<256x64xf32, #tpu.memory_space<vmem>>) dst(%dma_wait3A_188 : memref<256x64xf32, #tpu.memory_space<hbm>>)
    %add3A_193 = arith.constant 12800 : i32
    %add3A_194 = arith.addi %mul3A_2, %add3A_193 : i32
    %dma_wait3A_195 = arith.constant 2 : i32
    %dma_wait3A_196 = arith.constant 0 : i32
    %dma_wait3A_197 = arith.constant 0 : i32
    %dma_wait3A_198 = tpu.memref_slice %arg6[%dma_wait3A_195, %dma_wait3A_196, %dma_wait3A_197] : memref<4x256x64xf32, #tpu.memory_space<vmem>> -> memref<1x256x64xf32, #tpu.memory_space<vmem>>
    %dma_wait3A_199 = tpu.memref_squeeze %dma_wait3A_198 : memref<1x256x64xf32, #tpu.memory_space<vmem>> -> memref<256x64xf32, #tpu.memory_space<vmem>>
    %dma_wait3A_200 = arith.constant 0 : i32
    %dma_wait3A_201 = tpu.memref_slice %arg4[%add3A_194, %dma_wait3A_200] : memref<425984x64xf32, #tpu.memory_space<hbm>> -> memref<256x64xf32, #tpu.memory_space<hbm>>
    %dma_wait3A_202 = arith.constant 0 : i32
    %dma_wait3A_203 = tpu.memref_slice %arg4[%add3A_194, %dma_wait3A_202] : memref<425984x64xf32, #tpu.memory_space<hbm>> -> memref<256x64xf32, #tpu.memory_space<hbm>>
    %dma_wait3A_204 = arith.constant 0 : i32
    %dma_wait3A_205 = arith.constant 0 : i32
    %dma_wait3A_206 = tpu.memref_slice %arg6[%dma_wait3A_195, %dma_wait3A_204, %dma_wait3A_205] : memref<4x256x64xf32, #tpu.memory_space<vmem>> -> memref<1x256x64xf32, #tpu.memory_space<vmem>>
    %dma_wait3A_207 = tpu.memref_squeeze %dma_wait3A_206 : memref<1x256x64xf32, #tpu.memory_space<vmem>> -> memref<256x64xf32, #tpu.memory_space<vmem>>
    tpu.wait_dma2 semaphore(%arg8 : memref<!tpu.dma_semaphore, #tpu.memory_space<semaphore_mem>>) src(%dma_wait3A_207 : memref<256x64xf32, #tpu.memory_space<vmem>>) dst(%dma_wait3A_203 : memref<256x64xf32, #tpu.memory_space<hbm>>)
    %add3A_208 = arith.constant 13056 : i32
    %add3A_209 = arith.addi %mul3A_2, %add3A_208 : i32
    %dma_wait3A_210 = arith.constant 3 : i32
    %dma_wait3A_211 = arith.constant 0 : i32
    %dma_wait3A_212 = arith.constant 0 : i32
    %dma_wait3A_213 = tpu.memref_slice %arg6[%dma_wait3A_210, %dma_wait3A_211, %dma_wait3A_212] : memref<4x256x64xf32, #tpu.memory_space<vmem>> -> memref<1x256x64xf32, #tpu.memory_space<vmem>>
    %dma_wait3A_214 = tpu.memref_squeeze %dma_wait3A_213 : memref<1x256x64xf32, #tpu.memory_space<vmem>> -> memref<256x64xf32, #tpu.memory_space<vmem>>
    %dma_wait3A_215 = arith.constant 0 : i32
    %dma_wait3A_216 = tpu.memref_slice %arg4[%add3A_209, %dma_wait3A_215] : memref<425984x64xf32, #tpu.memory_space<hbm>> -> memref<256x64xf32, #tpu.memory_space<hbm>>
    %dma_wait3A_217 = arith.constant 0 : i32
    %dma_wait3A_218 = tpu.memref_slice %arg4[%add3A_209, %dma_wait3A_217] : memref<425984x64xf32, #tpu.memory_space<hbm>> -> memref<256x64xf32, #tpu.memory_space<hbm>>
    %dma_wait3A_219 = arith.constant 0 : i32
    %dma_wait3A_220 = arith.constant 0 : i32
    %dma_wait3A_221 = tpu.memref_slice %arg6[%dma_wait3A_210, %dma_wait3A_219, %dma_wait3A_220] : memref<4x256x64xf32, #tpu.memory_space<vmem>> -> memref<1x256x64xf32, #tpu.memory_space<vmem>>
    %dma_wait3A_222 = tpu.memref_squeeze %dma_wait3A_221 : memref<1x256x64xf32, #tpu.memory_space<vmem>> -> memref<256x64xf32, #tpu.memory_space<vmem>>
    tpu.wait_dma2 semaphore(%arg8 : memref<!tpu.dma_semaphore, #tpu.memory_space<semaphore_mem>>) src(%dma_wait3A_222 : memref<256x64xf32, #tpu.memory_space<vmem>>) dst(%dma_wait3A_218 : memref<256x64xf32, #tpu.memory_space<hbm>>)
    return
  }
}

</mosaic_0001>

<sc_bundles>
// kernel: kernel.3.cloned.1.call-start
scs
__scs_entry_jumppad:
0x0: {  	(pc) =	sbr.rel $0x88, $3  }
0x1: {  	(tag) =	ssettag $0x0;
	lr =	simm.s32 $0x1  }
0x2: {  	[smem:$0x3F9F] =	sst lr;
	_ =	strace $0xD0000000  }
0x3: {  	_ = 	snop  }
0x4: {  	_ = 	snop  }
0x5: {  	_ = 	snop  }
0x6: {  	_ = 	snop  }
0x7: {  	_ = 	snop  }
__scs_overlays_trampoline_lowered:
0x8: {  	[smem:$0x3FAE] =	sst s0  }
0x9: {  	[smem:$0x3FAF] =	sst s1  }
0xa: {  	[smem:$0x3FB0] =	sst s2  }
0xb: {  	[smem:$0x3FB1] =	sst s3  }
0xc: {  	[smem:$0x3FB2] =	sst s4  }
0xd: {  	[smem:$0x3FB3] =	sst s5  }
0xe: {  	[smem:$0x3FB4] =	sst s6  }
0xf: {  	[smem:$0x3FB5] =	sst s7  }
0x10: {  	[smem:$0x3FB6] =	sst s8  }
0x11: {  	[smem:$0x3FB7] =	sst s9;
	s0 =	simm.s32 @!p0 $0x0  }
0x12: {  	s1 =	sld [smem:$0x3F9D];
	s0 =	simm.s32 @p0 $0x1  }
0x13: {  	[smem:$0x3FB8] =	sst s0;
	s0 =	simm.s32 @!p1 $0x0  }
0x14: {  	s2 =	sld [smem:$0x3F9C];
	s0 =	simm.s32 @p1 $0x1  }
0x15: {  	[smem:$0x3FB9] =	sst s0;
	s0 =	simm.s32 @!p2 $0x0  }
0x16: {  	s3 =	sld [smem:$0x3FDB];
	s0 =	simm.s32 @p2 $0x1  }
0x17: {  	s4 =	simm.s32 $0x1BF5;
	[smem:$0x3FBB] =	sst s0  }
0x18: {  	s0 =	sld [smem:$0x3F9E];
	_ =	swait.ge [sflag:s4], $0x0  }
0x19: {  	s7 =	sld [smem:$0x3F9F]  }
0x1a: {  	s8 =	sadd.s32 $0xFFFFE003, lr  }
0x1b: {  	s9 =	sadd.s32 $0xFFFFFEF7, lr;
	s5 =	simm.s32 $0xFFFFFFFF;
	p2 =	slt.u32 s8, $0xFFFFF086  }
0x1c: {  	p1 =	slt.u32 s9, $0xF7A;
	s5 =	simm.s32 @!p2 $0x0  }
0x1d: {  	s5 =	simm.s32 @p1 $0x1;
	p0 =	seq.s32 s7, s2  }
0x1e: {  	s7 =	smul.u32 @!p0 $0xF7A, s2;
	p2 =	seq.s32 @!p0 s5, $0x0  }
0x1f: {  	s9 =	smul.u32 $0xF7A, s1;
	s8 =	simm.s32 @!p0 $0x1BF5;
	p2 =	por !p2, p0  }
0x20: {  	[sflag:s8] =	ssyncset.s32 @!p0 $0xFFFFF086;
	s6 =	sadd.s32 @!p0 s3, s7;
	s7 =	simm.s32 @!p0 $0x108  }
0x21: {  	s3 =	sadd.s32 s3, s9;
	s6 =	sadd.s32 @!p0 $0x88, s6;
	s7 =	simm.s32 @p2 $0x1082  }
0x22: {  	[simem:s7], [sflag:s8] =	dma.local @!p0 [hbm:s6], $0xF7A  }
0x23: {  	s9 =	sor.u32 $0xD0000000, s2;
	s6 =	simm.s32 $0x108;
	_ =	swait.ge @!p0 [sflag:s8], $0x0  }
0x24: {  	s3 =	sadd.s32 $0x88, s3;
	s6 =	simm.s32 @!p1 $0x1082;
	[sflag:s4] =	ssyncset.s32 $0xFFFFF086  }
0x25: {  	[simem:s6], [sflag:s4] =	dma.local [hbm:s3], $0xF7A  }
0x26: {  	[smem:$0x3F9F] =	sst s1;
	(tag) =	ssettag s2;
	_ =	strace s9  }
0x27: {  	s1 =	sld [smem:$0x3FAF]  }
0x28: {  	s2 =	sld [smem:$0x3FB0]  }
0x29: {  	s4 =	sld [smem:$0x3FB2]  }
0x2a: {  	p0 =	seq.s32 s5, $0x0;
	s5 =	sld [smem:$0x3FB3]  }
0x2b: {  	s6 =	sld [smem:$0x3FB4]  }
0x2c: {  	s7 =	sld [smem:$0x3FB5]  }
0x2d: {  	s3 =	simm.s32 $0x108;
	s8 =	sld [smem:$0x3FB6]  }
0x2e: {  	s3 =	simm.s32 @!p0 $0x1082;
	s9 =	sld [smem:$0x3FB7]  }
0x2f: {  	lr =	sadd.s32 s0, s3;
	s0 =	sld [smem:$0x3FAE]  }
0x30: {  	s3 =	sld [smem:$0x3FB1]  }
0x31: {  	[smem:$0x3FBA] =	sst s10  }
0x32: {  	s10 =	sld [smem:$0x3FB8];
	_ =	sdelay $0x3  }
0x33: {  	p0 =	seq.s32 s10, $0x1;
	s10 =	sld [smem:$0x3FBA];
	_ =	sdelay $0x3  }
0x34: {  	[smem:$0x3FBA] =	sst s10  }
0x35: {  	s10 =	sld [smem:$0x3FB9];
	_ =	sdelay $0x3  }
0x36: {  	p1 =	seq.s32 s10, $0x1;
	s10 =	sld [smem:$0x3FBA];
	_ =	sdelay $0x3  }
0x37: {  	[smem:$0x3FBA] =	sst s10  }
0x38: {  	s10 =	sld [smem:$0x3FBB]  }
0x39: {  	_ = 	snop;
	(pc) =	sbr.ind lr, $3  }
0x3a: {  	_ = 	snop  }
0x3b: {  	_ = 	snop  }
0x3c: {  	p2 =	seq.s32 s10, $0x1;
	s10 =	sld [smem:$0x3FBA]  }
0x3d: {  	_ =	shalt  }
0x3e: {  	_ =	shalt  }
0x3f: {  	_ =	shalt  }
0x40: {  	_ =	shalt  }
0x41: {  	_ =	shalt  }
0x42: {  	_ =	shalt  }
0x43: {  	_ =	shalt  }
0x44: {  	_ =	shalt  }
0x45: {  	_ =	shalt  }
0x46: {  	_ =	shalt  }
0x47: {  	_ =	shalt  }
0x48: {  	_ =	shalt  }
0x49: {  	_ =	shalt  }
0x4a: {  	_ =	shalt  }
0x4b: {  	_ =	shalt  }
0x4c: {  	_ =	shalt  }
0x4d: {  	_ =	shalt  }
0x4e: {  	_ =	shalt  }
0x4f: {  	_ =	shalt  }
0x50: {  	_ =	shalt  }
0x51: {  	_ =	shalt  }
0x52: {  	_ =	shalt  }
0x53: {  	_ =	shalt  }
0x54: {  	_ =	shalt  }
0x55: {  	_ =	shalt  }
0x56: {  	_ =	shalt  }
0x57: {  	_ =	shalt  }
0x58: {  	_ =	shalt  }
0x59: {  	_ =	shalt  }
0x5a: {  	_ =	shalt  }
0x5b: {  	_ =	shalt  }
0x5c: {  	_ =	shalt  }
0x5d: {  	_ =	shalt  }
0x5e: {  	_ =	shalt  }
0x5f: {  	_ =	shalt  }
0x60: {  	_ =	shalt  }
0x61: {  	_ =	shalt  }
0x62: {  	_ =	shalt  }
0x63: {  	_ =	shalt  }
0x64: {  	_ =	shalt  }
0x65: {  	_ =	shalt  }
0x66: {  	_ =	shalt  }
0x67: {  	_ =	shalt  }
0x68: {  	_ =	shalt  }
0x69: {  	_ =	shalt  }
0x6a: {  	_ =	shalt  }
0x6b: {  	_ =	shalt  }
0x6c: {  	_ =	shalt  }
0x6d: {  	_ =	shalt  }
0x6e: {  	_ =	shalt  }
0x6f: {  	_ =	shalt  }
0x70: {  	_ =	shalt  }
0x71: {  	_ =	shalt  }
0x72: {  	_ =	shalt  }
0x73: {  	_ =	shalt  }
0x74: {  	_ =	shalt  }
0x75: {  	_ =	shalt  }
0x76: {  	_ =	shalt  }
0x77: {  	_ =	shalt  }
0x78: {  	_ =	shalt  }
0x79: {  	_ =	shalt  }
0x7a: {  	_ =	shalt  }
0x7b: {  	_ =	shalt  }
0x7c: {  	_ =	shalt  }
0x7d: {  	_ =	shalt  }
0x7e: {  	_ =	shalt  }
0x7f: {  	_ =	shalt  }
0x80: {  	_ =	shalt  }
0x81: {  	_ =	shalt  }
0x82: {  	_ =	shalt  }
0x83: {  	_ =	shalt  }
0x84: {  	_ =	shalt  }
0x85: {  	_ =	shalt  }
0x86: {  	_ =	shalt  }
0x87: {  	_ =	shalt  }
.Lfunc_end0:
.L_simem_size_0:
called_computation.1_lowered:
.L_overlay_start_0:
0x88: {  	s2 =	sld [smem:$0x3FD9]  }
0x89: {  	s3 =	sld [smem:$0x3FFE];
	_ =	sdelay $0x1  }
0x8a: {  	s1 =	srdreg.scid  }
0x8b: {  	s0 =	sand.u32 $0x1, s1  }
0x8c: {  	s17 =	sshll.u32 s0, $0xA;
	s2 =	sadd.s32 s3, s2  }
0x8d: {  	s2 =	sadd.s32 s2, s17  }
0x8e: {  	[smem:$0x3FC6] =	sst s2  }
0x8f: {  	_ = 	snop  }
0x90: {  	s2 =	sld [smem:$0x3FD0];
	(tm) =	ssettm $0x1  }
0x91: {  	s18 =	sld [smem:$0x3FFB];
	_ =	sdelay $0x3  }
0x92: {  	_ =	strace s18  }
0x93: {  	s3 =	sld [smem:$0x3FFC];
	_ =	sdelay $0x3  }
0x94: {  	_ =	strace s3  }
0x95: {  	s3 =	sld [smem:$0x3FFD];
	_ =	sdelay $0x3  }
0x96: {  	_ =	strace s3  }
0x97: {  	_ =	strace $0x8FFFFFFF  }
0x98: {  	s19 =	sld [smem:$0x3FDB];
	_ =	sdelay $0x1  }
0x99: {  	s4 =	simm.s32 $_scs_section_size  }
0x9a: {  	s5 =	simm.s32 $_size__tile_overlayer_lowered;
	s6 =	simm.s32 $_tile_overlayer_lowered  }
0x9b: {  	s22 =	simm.s32 $0x1BFF;
	s21 =	sshll.u32 s6, $0x1;
	s3 =	sadd.s32 s4, s19  }
0x9c: {  	s7 =	simm.s32 $0x0;
	s20 =	sshll.u32 s5, $0x1;
	s5 =	sadd.s32 s21, s3  }
0x9d: {  	[timem:s7], [sflag:s22] =	dma.local [hbm:s5], s20  }
0x9e: {  	_ =	swait.ge [sflag:s22], s20  }
0x9f: {  	s4 =	ssub.s32 $0x0, s20;
	[sflag:s22] =	ssyncset.done $0x0  }
0xa0: {  	[sflag:s22] =	ssyncadd.s32 s4;
	_ =	sdelay $0x1  }
0xa1: {  	s23 =	simm.s32 $0x1B8B  }
0xa2: {  	_ =	swait.ge [sflag:s23], $0x1  }
0xa3: {  	[sflag:s23] =	ssyncset.done $0x0  }
0xa4: {  	s25 =	simm.s32 $0x1B8E;
	s24 =	sld [smem:$0x3FFE];
	[sflag:s23] =	ssyncadd.s32 $0xFFFFFFFF  }
0xa5: {  	s26 =	simm.s32 $execute0_lowered;
	[smem:$0x3FD2] =	sst s25  }
0xa6: {  	s5 =	sshll.u32 s26, $0x1;
	_ =	strace $0x80000046;
	[dreg:$0x1] =	wrdreg $0xFFFFFFFF  }
0xa7: {  	s28 =	simm.s32 $_size_execute0_lowered;
	s3 =	sadd.s32 s3, s5;
	[dreg:$0x0] =	wrdreg $0x0  }
0xa8: {  	s5 =	sshll.u32 s28, $0x1;
	[dreg:$0x2] =	wrdreg s3  }
0xa9: {  	[dreg:$0x3] =	wrdreg s5  }
0xaa: {  	[dreg:$0x4] =	wrdreg $0xC0  }
0xab: {  	_ =	task [dreg:s7], $0x5FFFF  }
0xac: {  	[dreg:$0x1] =	wrdreg $0xFFFFFFFF  }
0xad: {  	[dreg:$0x0] =	wrdreg $0x60  }
0xae: {  	[dreg:$0x2] =	wrdreg s24  }
0xaf: {  	[dreg:$0x3] =	wrdreg s2  }
0xb0: {  	[dreg:$0x4] =	wrdreg $0x9  }
0xb1: {  	_ =	task.clear_ibuf [dreg:s7], $0x5FFFF;
	_ =	strace $0x90000046  }
0xb2: {  	s29 =	simm.s32 $0x9;
	_ =	strace $0x80000048  }
0xb3: {  	_ =	swait.ge [sflag:s29], $0x1  }
0xb4: {  	[sflag:s29] =	ssyncadd.s32 $0xFFFFFFFF  }
0xb5: {  	_ =	strace $0x90000048  }
0xb6: {  	_ =	sfence  }
0xb7: {  	s30 =	sld [smem:$0x0];
	_ =	sdelay $0x2  }
0xb8: {  	s31 =	sshll.u32 s1, $0xD;
	s1 =	sshrl.u32 s1, $0x2  }
0xb9: {  	s3 =	sand.u32 $0x4000, s31;
	s1 =	sadd.s32 s1, s30  }
0xba: {  	s0 =	sor.u32 s3, s0;
	s1 =	sshll.u32 s1, $0x11  }
0xbb: {  	s0 =	sor.u32 s1, s0  }
0xbc: {  	s0 =	sadd.s32 $0x8F2B, s0  }
0xbd: {  	[sflag:s0] =	ssyncadd.remote.s32 $0x1  }
0xbe: {  	_ =	sfence.sel $0xFFFF  }
0xbf: {  	[dreg:$0x0] =	wrdreg $0xFFFFFFFF;
	(pc) =	sbr.abs _section_cstart, $3  }
0xc0: {  	[dreg:$0x1] =	wrdreg $0xFFFFFFFF  }
0xc1: {  	_ =	task.clear_ibuf [dreg:s7], $0x2FFFF;
	_ =	strace $0x9FFFFFFF  }
0xc2: {  	(tm) =	ssettm $0x7FFFFFFF  }
0xc3: {  	_ =	shalt  }
tec
execute0_lowered:
.L_overlay_start_1:
0x0: {  	(tag) =	ssettag $0x1  }
0x1: {  	s1 =	srdreg.scid;
	s3 =	rddreg [dreg:$0x0]  }
0x2: {  	s0 =	stileid.u32;
	s10 =	rddreg [dreg:$0x1];
	s2 =	simm.s32 $0x0  }
0x3: {  	s14 =	simm.s32 $0x3;
	s15 =	simm.s32 $0x100;
	s16 =	simm.s32 $0x3400  }
0x4: {  	s17 =	simm.s32 $0x7400;
	s18 =	simm.s32 $0x1;
	s19 =	simm.s32 $0x200  }
0x5: {  	s4 =	sand.u32 $0x1, s1;
	s29 =	sshll.u32 s0, $0x1;
	s9 =	smul.u32 $0x6800, s0  }
0x6: {  	s20 =	simm.s32 $0xB400;
	s5 =	sor.u32 s4, s29;
	s12 =	smul.u32 $0x3400, s4  }
0x7: {  	s21 =	simm.s32 $0x300;
	s22 =	simm.s32 $0xF400;
	s6 =	smul.u32 $0x3400, s5  }
0x8: {  	s23 =	simm.s32 $0x2;
	s8 =	ssub.s32 $0x2, s4;
	s7 =	smul.u32 $0x1A000, s5  }
0x9: {  	[smem:$0x7FF] =	sst s2;
	s5 =	smul.u32 $0xD0000, s5;
	s11 =	sshrl.u32 s8, $0x1  }
0xa: {  	s24 =	simm.s32 $0x0;
	_ =	strace $0x80000047;
	s11 =	ssub.s32 s8, s11  }
0xb: {  	s9 =	sadd.s32 s12, s9;
	s6 =	sshrl.u32 s6, $0x3;
	s30 =	sshrl.u32 s5, $0x3  }
0xc: {  	s5 =	sadd.s32 s10, s7;
	s12 =	sshll.u32 s9, $0x3;
	s9 =	smax.u32 s11, $0x1  }
0xd: {  	s6 =	sadd.s32 s6, s3;
	s3 =	sadd.s32 $0xF42E00, s3;
	s31 =	sadd.s32 s10, s30  }
0xe: {  	s13 =	sadd.s32 s10, s12;
	s4 =	sadd.s32 $0xA00, s6;
	s6 =	sadd.s32 $0x800, s5  }
0xf: {  	s7 =	sadd.s32 $0x19000, s31;
	s8 =	sadd.s32 $0x19800, s31;
	s10 =	sadd.s32 $0x1800, s13  }
0x10: {  	s11 =	sadd.s32 $0x1000, s13;
	s12 =	sadd.s32 $0x2800, s13;
	s13 =	sadd.s32 $0x2000, s13  }
.LBB2_1:
0x11: {  	[tilespmem:s2], [sflag:$0x3] =	stream.linear.gather [hbm4b:s4+s2], $0x3400, $0x38;
	[tilespmem:$0x13400] =	vst v63  }
0x12: {  	_ =	swait.ge [sflag:s14], $0x3400  }
0x13: {  	[sflag:s14] =	ssyncset.done $0x0  }
0x14: {  	[sflag:s14] =	ssyncadd.s32 $0xFFFFCC00  }
0x15: {  	[tilespmem:s16], [sflag:$0x1] =	stream.indirect.gather [hbm4b:s3+s15], $0x40, s2, s15, $0xb8;
	[tilespmem:$0x13400] =	vst v63  }
0x16: {  	_ = 	snop  }
0x17: {  	[tilespmem:s17], [sflag:$0x1] =	stream.indirect.gather [hbm4b:s3+s15], $0x40, s15, s15, $0xb8;
	[tilespmem:$0x13400] =	vst v63  }
0x18: {  	_ =	swait.ge [sflag:s18], $0x4000  }
0x19: {  	[sflag:s18] =	ssyncset.done $0x0  }
0x1a: {  	[sflag:s18] =	ssyncadd.s32 $0xFFFFC000  }
0x1b: {  	[hbm4b:s5+s2] =	stream.linear.scatter [tilespmem:s16], [sflag:$0x2], $0x4000, $0x38;
	[tilespmem:$0x13400] =	vst v63  }
0x1c: {  	_ = 	snop  }
0x1d: {  	[tilespmem:s20], [sflag:$0x1] =	stream.indirect.gather [hbm4b:s3+s15], $0x40, s19, s15, $0xb8;
	[tilespmem:$0x13400] =	vst v63  }
0x1e: {  	_ =	swait.ge [sflag:s18], $0x4000  }
0x1f: {  	[sflag:s18] =	ssyncset.done $0x0  }
0x20: {  	[sflag:s18] =	ssyncadd.s32 $0xFFFFC000  }
0x21: {  	[hbm4b:s6+s2] =	stream.linear.scatter [tilespmem:s17], [sflag:$0x2], $0x4000, $0x38;
	[tilespmem:$0x13400] =	vst v63  }
0x22: {  	_ = 	snop  }
0x23: {  	[tilespmem:s22], [sflag:$0x1] =	stream.indirect.gather [hbm4b:s3+s15], $0x40, s21, s15, $0xb8;
	[tilespmem:$0x13400] =	vst v63  }
0x24: {  	_ =	swait.ge [sflag:s18], $0x4000  }
0x25: {  	[sflag:s18] =	ssyncset.done $0x0  }
0x26: {  	[sflag:s18] =	ssyncadd.s32 $0xFFFFC000  }
0x27: {  	[hbm4b:s11+s2] =	stream.linear.scatter [tilespmem:s20], [sflag:$0x2], $0x4000, $0x38;
	[tilespmem:$0x13400] =	vst v63  }
0x28: {  	_ =	swait.ge [sflag:s23], $0x4000  }
0x29: {  	[sflag:s23] =	ssyncset.done $0x0  }
0x2a: {  	s25 =	simm.s32 $0x400;
	[sflag:s23] =	ssyncadd.s32 $0xFFFFC000  }
0x2b: {  	[tilespmem:s16], [sflag:$0x1] =	stream.indirect.gather [hbm4b:s3+s15], $0x40, s25, s15, $0xb8;
	[tilespmem:$0x13400] =	vst v63  }
0x2c: {  	_ =	swait.ge [sflag:s18], $0x4000  }
0x2d: {  	[sflag:s18] =	ssyncset.done $0x0  }
0x2e: {  	[sflag:s18] =	ssyncadd.s32 $0xFFFFC000  }
0x2f: {  	[hbm4b:s10+s2] =	stream.linear.scatter [tilespmem:s22], [sflag:$0x2], $0x4000, $0x38;
	[tilespmem:$0x13400] =	vst v63  }
0x30: {  	_ =	swait.ge [sflag:s23], $0x4000  }
0x31: {  	[sflag:s23] =	ssyncset.done $0x0  }
0x32: {  	s1 =	simm.s32 $0x500;
	[sflag:s23] =	ssyncadd.s32 $0xFFFFC000  }
0x33: {  	[tilespmem:s17], [sflag:$0x1] =	stream.indirect.gather [hbm4b:s3+s15], $0x40, s1, s15, $0xb8;
	[tilespmem:$0x13400] =	vst v63  }
0x34: {  	_ =	swait.ge [sflag:s18], $0x4000  }
0x35: {  	[sflag:s18] =	ssyncset.done $0x0  }
0x36: {  	[sflag:s18] =	ssyncadd.s32 $0xFFFFC000  }
0x37: {  	[hbm4b:s13+s2] =	stream.linear.scatter [tilespmem:s16], [sflag:$0x2], $0x4000, $0x38;
	[tilespmem:$0x13400] =	vst v63  }
0x38: {  	_ =	swait.ge [sflag:s23], $0x4000  }
0x39: {  	[sflag:s23] =	ssyncset.done $0x0  }
0x3a: {  	s26 =	simm.s32 $0x600;
	[sflag:s23] =	ssyncadd.s32 $0xFFFFC000  }
0x3b: {  	[tilespmem:s20], [sflag:$0x1] =	stream.indirect.gather [hbm4b:s3+s15], $0x40, s26, s15, $0xb8;
	[tilespmem:$0x13400] =	vst v63  }
0x3c: {  	_ =	swait.ge [sflag:s18], $0x4000  }
0x3d: {  	[sflag:s18] =	ssyncset.done $0x0  }
0x3e: {  	[sflag:s18] =	ssyncadd.s32 $0xFFFFC000  }
0x3f: {  	[hbm4b:s12+s2] =	stream.linear.scatter [tilespmem:s17], [sflag:$0x2], $0x4000, $0x38;
	[tilespmem:$0x13400] =	vst v63  }
0x40: {  	s28 =	sadd.s32 $0x2000, s11;
	s29 =	sadd.s32 $0x2000, s12;
	_ =	swait.ge [sflag:s23], $0x4000  }
0x41: {  	s31 =	simm.s32 $0x700;
	s30 =	sadd.s32 $0x2000, s10;
	[sflag:s23] =	ssyncset.done $0x0  }
0x42: {  	s25 =	simm.s32 $0x1000;
	s26 =	sadd.s32 $0x2000, s13;
	[sflag:s23] =	ssyncadd.s32 $0xFFFFC000  }
.LBB2_2:
0x43: {  	[tilespmem:s22], [sflag:$0x1] =	stream.indirect.gather [hbm4b:s3+s15], $0x40, s31, s15, $0xb8;
	[tilespmem:$0x13400] =	vst v63  }
0x44: {  	s31 =	smov.u32 s25  }
0x45: {  	p0 =	sne.s32 s25, $0xB000;
	s25 =	sadd.s32 $0x1000, s25;
	_ =	swait.ge [sflag:s18], $0x4000  }
0x46: {  	[sflag:s18] =	ssyncset.done $0x0  }
0x47: {  	[sflag:s18] =	ssyncadd.s32 $0xFFFFC000  }
0x48: {  	[hbm4b:s28+s2] =	stream.linear.scatter [tilespmem:s20], [sflag:$0x2], $0x4000, $0x38;
	[tilespmem:$0x13400] =	vst v63  }
0x49: {  	_ =	swait.ge [sflag:s23], $0x4000  }
0x4a: {  	s31 =	sshra.s32 s31, $0x2;
	[sflag:s23] =	ssyncset.done $0x0  }
0x4b: {  	s1 =	sadd.s32 $0x400, s31;
	[sflag:s23] =	ssyncadd.s32 $0xFFFFC000  }
0x4c: {  	[tilespmem:s16], [sflag:$0x1] =	stream.indirect.gather [hbm4b:s3+s15], $0x40, s1, s15, $0xb8;
	[tilespmem:$0x13400] =	vst v63  }
0x4d: {  	_ =	swait.ge [sflag:s18], $0x4000  }
0x4e: {  	[sflag:s18] =	ssyncset.done $0x0  }
0x4f: {  	[sflag:s18] =	ssyncadd.s32 $0xFFFFC000  }
0x50: {  	[hbm4b:s30+s2] =	stream.linear.scatter [tilespmem:s22], [sflag:$0x2], $0x4000, $0x38;
	[tilespmem:$0x13400] =	vst v63  }
0x51: {  	_ =	swait.ge [sflag:s23], $0x4000  }
0x52: {  	[sflag:s23] =	ssyncset.done $0x0  }
0x53: {  	s1 =	sadd.s32 $0x500, s31;
	[sflag:s23] =	ssyncadd.s32 $0xFFFFC000  }
0x54: {  	[tilespmem:s17], [sflag:$0x1] =	stream.indirect.gather [hbm4b:s3+s15], $0x40, s1, s15, $0xb8;
	[tilespmem:$0x13400] =	vst v63  }
0x55: {  	_ =	swait.ge [sflag:s18], $0x4000  }
0x56: {  	[sflag:s18] =	ssyncset.done $0x0  }
0x57: {  	[sflag:s18] =	ssyncadd.s32 $0xFFFFC000  }
0x58: {  	[hbm4b:s26+s2] =	stream.linear.scatter [tilespmem:s16], [sflag:$0x2], $0x4000, $0x38;
	[tilespmem:$0x13400] =	vst v63  }
0x59: {  	_ =	swait.ge [sflag:s23], $0x4000  }
0x5a: {  	[sflag:s23] =	ssyncset.done $0x0  }
0x5b: {  	s1 =	sadd.s32 $0x600, s31;
	[sflag:s23] =	ssyncadd.s32 $0xFFFFC000  }
0x5c: {  	[tilespmem:s20], [sflag:$0x1] =	stream.indirect.gather [hbm4b:s3+s15], $0x40, s1, s15, $0xb8;
	[tilespmem:$0x13400] =	vst v63  }
0x5d: {  	_ =	swait.ge [sflag:s18], $0x4000  }
0x5e: {  	[sflag:s18] =	ssyncset.done $0x0  }
.Ltmp0:
0x5f: {  	[sflag:s18] =	ssyncadd.s32 $0xFFFFC000;
	(pc) =	sbr.rel @p0 .LBB2_2-.Ltmp0, $4  }
0x60: {  	[hbm4b:s29+s2] =	stream.linear.scatter [tilespmem:s17], [sflag:$0x2], $0x4000, $0x38;
	[tilespmem:$0x13400] =	vst v63  }
0x61: {  	s26 =	sadd.s32 $0x2000, s26;
	_ =	swait.ge [sflag:s23], $0x4000  }
0x62: {  	s28 =	sadd.s32 $0x2000, s28;
	s29 =	sadd.s32 $0x2000, s29;
	[sflag:s23] =	ssyncset.done $0x0  }
0x63: {  	s30 =	sadd.s32 $0x2000, s30;
	s31 =	sadd.s32 $0x700, s31;
	[sflag:s23] =	ssyncadd.s32 $0xFFFFC000  }
0x64: {  	[tilespmem:s22], [sflag:$0x1] =	stream.indirect.gather [hbm4b:s3+s15], $0x40, s31, s15, $0xb8;
	[tilespmem:$0x13400] =	vst v63  }
0x65: {  	_ =	swait.ge [sflag:s18], $0x4000  }
0x66: {  	[sflag:s18] =	ssyncset.done $0x0  }
0x67: {  	[sflag:s18] =	ssyncadd.s32 $0xFFFFC000  }
0x68: {  	[hbm4b:s7+s2] =	stream.linear.scatter [tilespmem:s20], [sflag:$0x2], $0x4000, $0x38;
	[tilespmem:$0x13400] =	vst v63  }
0x69: {  	_ =	swait.ge [sflag:s18], $0x4000  }
0x6a: {  	[sflag:s18] =	ssyncset.done $0x0  }
0x6b: {  	[sflag:s18] =	ssyncadd.s32 $0xFFFFC000  }
0x6c: {  	[hbm4b:s8+s2] =	stream.linear.scatter [tilespmem:s22], [sflag:$0x2], $0x4000, $0x38;
	[tilespmem:$0x13400] =	vst v63  }
0x6d: {  	_ =	swait.ge [sflag:s23], $0x4000  }
0x6e: {  	[sflag:s23] =	ssyncset.done $0x0  }
0x6f: {  	[sflag:s23] =	ssyncadd.s32 $0xFFFFC000  }
0x70: {  	_ =	swait.ge [sflag:s23], $0x4000  }
0x71: {  	[sflag:s23] =	ssyncset.done $0x0  }
0x72: {  	s24 =	sadd.s32 $0x1, s24;
	[sflag:s23] =	ssyncadd.s32 $0xFFFFC000  }
0x73: {  	p0 =	sne.s32 s24, s9;
	_ =	swait.ge [sflag:s23], $0x4000  }
.Ltmp1:
0x74: {  	[sflag:s23] =	ssyncset.done $0x0;
	(pc) =	sbr.rel @p0 .LBB2_1-.Ltmp1, $4  }
0x75: {  	[sflag:s23] =	ssyncadd.s32 $0xFFFFC000  }
0x76: {  	_ =	swait.ge [sflag:s23], $0x4000  }
0x77: {  	[sflag:s23] =	ssyncset.done $0x0  }
0x78: {  	[sflag:s23] =	ssyncadd.s32 $0xFFFFC000  }
0x79: {  	_ =	sfence.sel $0x180000  }
0x7a: {  	[bflag:$0x0] =	sbarrier.arrive $0xFFFF  }
0x7b: {  	_ =	strace $0x90000047  }
0x7c: {  	[bflag:$0x2] =	sbarrier.arrive $0xFFFF  }
0x7d: {  	p0 =	sne.s32 s0, $0x0;
	s0 =	rddreg [dreg:$0x2]  }
0x7e: {  	s0 =	sadd.s32 @!p0 $0x100000, s0  }
0x7f: {  	[sflag:s0] =	ssyncadd.tile.s32 @!p0 $0x1;
	_ =	shalt  }
.Lfunc_end2:
_tile_overlayer_lowered:
.L_overlay_start_2:
0x80: {  	(tag) =	ssettag $0x2  }
0x81: {  	s0 =	rddreg [dreg:$0x0];
	s2 =	stileid.u32  }
0x82: {  	s1 =	rddreg [dreg:$0x1];
	p0 =	sne.s32 s2, $0x0  }
0x83: {  	s3 =	rddreg [dreg:$0x2];
	[bflag:$0x3] =	sbarrier.arrive $0xFFFF;
	s2 =	simm.s32 @!p0 $0x1C03  }
0x84: {  	[timem:s3], [sflag:s2] =	dma.local @!p0 [hbm:s0], s1  }
0x85: {  	s0 =	simm.s32 @!p0 $0x3  }
0x86: {  	_ =	swait.ge @!p0 [sflag:s0], s1  }
0x87: {  	s1 =	ssub.s32 @!p0 $0x0, s1;
	[sflag:s0] =	ssyncset.done @!p0 $0x0  }
0x88: {  	[sflag:s0] =	ssyncadd.s32 @!p0 s1  }
0x89: {  	[bflag:$0x3] =	sbarrier.arrive $0xFFFF  }
0x8a: {  	_ =	shalt  }

// kernel: sparse-core-data-format-call.cloned.1.call-start
scs
called_computation_lowered:
.L_overlay_start_0:
0x0: {  	s2 =	sld [smem:$0x3FD9]  }
0x1: {  	s3 =	sld [smem:$0x3FFE];
	_ =	sdelay $0x1  }
0x2: {  	s1 =	srdreg.scid  }
0x3: {  	s0 =	sand.u32 $0x1, s1  }
0x4: {  	s18 =	sshll.u32 s0, $0xA;
	s2 =	sadd.s32 s3, s2  }
0x5: {  	s2 =	sadd.s32 s2, s18  }
0x6: {  	[smem:$0x3FC6] =	sst s2  }
0x7: {  	_ = 	snop  }
0x8: {  	s2 =	sld [smem:$0x3FD0];
	(tm) =	ssettm $0x1  }
0x9: {  	s19 =	sld [smem:$0x3FFB];
	_ =	sdelay $0x3  }
0xa: {  	_ =	strace s19  }
0xb: {  	s3 =	sld [smem:$0x3FFC];
	_ =	sdelay $0x3  }
0xc: {  	_ =	strace s3  }
0xd: {  	s3 =	sld [smem:$0x3FFD];
	_ =	sdelay $0x3  }
0xe: {  	_ =	strace s3  }
0xf: {  	_ =	strace $0x8FFFFFFF  }
0x10: {  	s20 =	sld [smem:$0x3FDB];
	_ =	sdelay $0x1  }
0x11: {  	s4 =	simm.s32 $_scs_section_size  }
0x12: {  	s5 =	simm.s32 $_size__tile_overlayer_lowered;
	s6 =	simm.s32 $_tile_overlayer_lowered  }
0x13: {  	s23 =	simm.s32 $0x1BFF;
	s22 =	sshll.u32 s6, $0x1;
	s3 =	sadd.s32 s4, s20  }
0x14: {  	s7 =	simm.s32 $0x0;
	s21 =	sshll.u32 s5, $0x1;
	s5 =	sadd.s32 s22, s3  }
0x15: {  	[timem:s7], [sflag:s23] =	dma.local [hbm:s5], s21  }
0x16: {  	_ =	swait.ge [sflag:s23], s21  }
0x17: {  	s4 =	ssub.s32 $0x0, s21;
	[sflag:s23] =	ssyncset.done $0x0  }
0x18: {  	[sflag:s23] =	ssyncadd.s32 s4;
	_ =	sdelay $0x1  }
0x19: {  	s24 =	simm.s32 $0x1B8B  }
0x1a: {  	_ =	swait.ge [sflag:s24], $0x1  }
0x1b: {  	[sflag:s24] =	ssyncset.done $0x0  }
0x1c: {  	s26 =	simm.s32 $0x1B8E;
	s25 =	sld [smem:$0x3FFE];
	[sflag:s24] =	ssyncadd.s32 $0xFFFFFFFF  }
0x1d: {  	s27 =	simm.s32 $execute0_lowered;
	[smem:$0x3FD2] =	sst s26  }
0x1e: {  	s5 =	sshll.u32 s27, $0x1;
	_ =	strace $0x80000049;
	[dreg:$0x1] =	wrdreg $0xFFFFFFFF  }
0x1f: {  	s28 =	simm.s32 $_size_execute0_lowered;
	s3 =	sadd.s32 s3, s5;
	[dreg:$0x0] =	wrdreg $0x0  }
0x20: {  	s5 =	sshll.u32 s28, $0x1;
	[dreg:$0x2] =	wrdreg s3  }
0x21: {  	[dreg:$0x3] =	wrdreg s5  }
0x22: {  	[dreg:$0x4] =	wrdreg $0xC0  }
0x23: {  	_ =	task [dreg:s7], $0x5FFFF  }
0x24: {  	[dreg:$0x1] =	wrdreg $0xFFFFFFFF  }
0x25: {  	[dreg:$0x0] =	wrdreg $0x60  }
0x26: {  	[dreg:$0x2] =	wrdreg s25  }
0x27: {  	[dreg:$0x3] =	wrdreg s2  }
0x28: {  	[dreg:$0x4] =	wrdreg $0x9  }
0x29: {  	_ =	task.clear_ibuf [dreg:s7], $0x5FFFF;
	_ =	strace $0x90000049  }
0x2a: {  	s29 =	simm.s32 $0x9;
	_ =	strace $0x8000004B  }
0x2b: {  	_ =	swait.ge [sflag:s29], $0x1  }
0x2c: {  	[sflag:s29] =	ssyncadd.s32 $0xFFFFFFFF  }
0x2d: {  	_ =	strace $0x9000004B  }
0x2e: {  	_ =	sfence  }
0x2f: {  	s30 =	sld [smem:$0x0];
	_ =	sdelay $0x2  }
0x30: {  	s31 =	sshll.u32 s1, $0xD;
	s1 =	sshrl.u32 s1, $0x2  }
0x31: {  	s3 =	sand.u32 $0x4000, s31;
	s1 =	sadd.s32 s1, s30  }
0x32: {  	s0 =	sor.u32 s3, s0;
	s1 =	sshll.u32 s1, $0x11  }
0x33: {  	s0 =	sor.u32 s1, s0  }
0x34: {  	s0 =	sadd.s32 $0x8F2B, s0  }
0x35: {  	[sflag:s0] =	ssyncadd.remote.s32 $0x1  }
0x36: {  	_ =	sfence.sel $0xFFFF  }
0x37: {  	[dreg:$0x0] =	wrdreg $0xFFFFFFFF;
	(pc) =	sbr.abs _section_cstart, $3  }
0x38: {  	[dreg:$0x1] =	wrdreg $0xFFFFFFFF  }
0x39: {  	_ =	task.clear_ibuf [dreg:s7], $0x2FFFF;
	_ =	strace $0x9FFFFFFF  }
0x3a: {  	(tm) =	ssettm $0x7FFFFFFF  }
0x3b: {  	_ =	shalt  }
tec
execute0_lowered:
.L_overlay_start_1:
0x0: {  	(tag) =	ssettag $0x1  }
0x1: {  	s0 =	srdreg.scid  }
0x2: {  	s1 =	sshll.u32 s0, $0x4  }
0x3: {  	s0 =	stileid.u32;
	s1 =	sand.u32 $0x10, s1  }
0x4: {  	s1 =	sor.u32 s0, s1  }
0x5: {  	s6 =	rddreg [dreg:$0x0];
	s4 =	simm.s32 $0x1;
	s2 =	sshll.u32 s1, $0x7  }
0x6: {  	s7 =	simm.s32 $0x2;
	s12 =	simm.s32 $0x0;
	s1 =	ssub.s32 $0x4000, s2  }
0x7: {  	s8 =	simm.s32 $0x20000;
	s13 =	simm.s32 $0x0;
	s3 =	sand.u32 $0xF80, s1  }
0x8: {  	s9 =	simm.s32 $0x0;
	s5 =	sshrl.u32 s1, $0xC;
	p0 =	sne.s32 s3, $0x0  }
.Ltmp0:
0x9: {  	s1 =	rddreg [dreg:$0x2];
	s4 =	simm.s32 @!p0 $0x0;
	(pc) =	sbr.rel .LBB1_1-.Ltmp0, $4  }
0xa: {  	s11 =	simm.s32 $0x0;
	s3 =	rddreg [dreg:$0x1];
	s5 =	sadd.s32 s4, s5  }
0xb: {  	_ =	strace $0x8000004A;
	s4 =	simm.s32 $0x1;
	s5 =	smul.u32 $0x1A, s5  }
0xc: {  	s6 =	sadd.s32 $0xA00, s6;
	s10 =	smov.u32 s2;
	[sflag:s4] =	ssyncpa.u1 $0x0  }
0xd: {  	p0 =	por $0x0, $0x0;
	[sflag:s7] =	ssyncpa.u1 $0x0;
	s7 =	sor.u32 $0x1, s5  }
.LBB1_4:
0xe: {  	s16 =	sshll.u32 s13, $0x3;
	s17 =	sand.u32 $0x78, s13  }
0xf: {  	s30 =	sand.u32 $0x1F800, s13;
	s12 =	sshll.u32 s12, $0x11;
	s16 =	sand.u32 $0x3C00, s16  }
0x10: {  	[tilespmem:s15+$0x810 ss:$0x81] =	vst.msk $0xffff, v2;
	s31 =	sand.u32 $0x7, s13;
	s16 =	sor.u32 s17, s16;
	s17 =	sadd.s32 s3, s30  }
0x11: {  	[tilespmem:s15+$0x1020 ss:$0x81] =	vst.msk $0xffff, v0;
	s13 =	sshll.u32 s31, $0x12;
	s12 =	sadd.s32 s12, s17;
	s16 =	sshrl.u32 s16, $0x3  }
0x12: {  	[tilespmem:s15+$0x0 ss:$0x81] =	vst.msk $0xffff, v1;
	s13 =	sor.u32 $0x400, s13;
	s12 =	sadd.s32 s16, s12  }
0x13: {  	[hbm4b:s12+s13] =	stream.strided.scatter [tilespmem:s14], [sflag:$0x2], $0x2000, s8, s13, $0x20;
	[tilespmem:$0x8080] =	vst v63  }
.LBB1_5:
0x14: {  	s14 =	sadd.s32 $0x1, s9  }
0x15: {  	s12 =	sadd.s32 $0x1000, s10;
	s16 =	smov.u32 s10;
	p2 =	sgt.s32 s14, $0x19  }
0x16: {  	s16 =	smov.u32 @p2 s12  }
0x17: {  	s14 =	simm.s32 @p2 $0x0;
	p2 =	sgt.s32 s16, $0x3FFF  }
0x18: {  	s16 =	smov.u32 @p2 s2;
	p2 =	sne.s32 s11, s7  }
.Ltmp1:
0x19: {  	p1 =	slt.u32 s11, $0x2;
	(pc) =	sbr.rel @!p2 .LBB1_6-.Ltmp1, $4  }
0x1a: {  	s15 =	simm.s32 @!p1 $0x2  }
0x1b: {  	s13 =	smov.u32 s10;
	p0 =	por !p0, !p0;
	_ =	swait.ge @!p1 [sflag:s15], $0x2000  }
0x1c: {  	s12 =	smov.u32 s9;
	[sflag:s15] =	ssyncset.done @!p1 $0x0;
	s9 =	smov.u32 s14  }
0x1d: {  	s11 =	sadd.s32 $0x1, s11;
	[sflag:s15] =	ssyncadd.s32 @!p1 $0xFFFFE000;
	s10 =	smov.u32 s16  }
.LBB1_1:
0x1e: {  	p1 =	sge.u32 s11, s5  }
0x1f: {  	s31 =	sadd.s32 $0xFFFFFFFF, s11;
	s14 =	sxor.u32 @!p1 $0xFFFFFFFF, s11  }
0x20: {  	s15 =	sshll.u32 @!p1 s10, $0x9;
	s16 =	sshll.u32 @!p1 s9, $0x4;
	s17 =	simm.s32 @!p1 $0x1000  }
0x21: {  	s14 =	sshll.u32 @!p1 s14, $0xD;
	s16 =	sand.u32 @!p1 $0x1F0, s16;
	s15 =	sadd.s32 @!p1 s6, s15  }
0x22: {  	s14 =	sand.u32 @!p1 $0x2000, s14;
	s15 =	sadd.s32 @!p1 s16, s15;
	s16 =	simm.s32 @!p1 $0x40  }
0x23: {  	[tilespmem:s14], [sflag:$0x1] =	stream.strided.gather @!p1 [hbm4b:s15+s16], $0x2000, s17, s16, $0x38;
	[tilespmem:$0x8080] =	vst v63  }
0x24: {  	p1 =	sge.u32 s31, s5  }
.Ltmp2:
0x25: {  	_ = 	snop;
	(pc) =	sbr.rel @p1 .LBB1_5-.Ltmp2, $1  }
0x26: {  	_ =	sdelay $0x3  }
0x27: {  	s14 =	simm.s32 $0x1  }
0x28: {  	_ =	swait.ge [sflag:s4], $0x2000;
	s14 =	simm.s32 @!p0 $0x0  }
0x29: {  	[sflag:s4] =	ssyncset.done $0x0;
	s15 =	sshll.u32 s14, $0xD  }
0x2a: {  	[sflag:s4] =	ssyncadd.s32 $0xFFFFE000;
	s18 =	sor.u32 $0x20, s15  }
0x2b: {  	s14 =	smul.u32 $0x8100, s14;
	v3 =	vld [tilespmem:s18+$0x10]  }
0x2c: {  	s30 =	sand.u32 $0x1, s11;
	v2 =	vld [tilespmem:s18+$0xFFFFFFF0]  }
0x2d: {  	s15 =	smul.u32 $0x8100, s30;
	s14 =	sshrl.u32 s14, $0x2;
	v0 =	vld [tilespmem:s18+$0x0]  }
0x2e: {  	v1 =	vld [tilespmem:s18+$0xFFFFFFE0];
	s16 =	sor.u32 $0x4000, s14  }
0x2f: {  	s31 =	sshrl.u32 s15, $0x2;
	s15 =	sadd.s32 $0x0, s16  }
0x30: {  	s17 =	simm.s32 $0x4;
	s18 =	sadd.s32 $0x40, s18;
	s14 =	sor.u32 $0x4000, s31;
	[tilespmem:s15+$0x1830 ss:$0x81] =	vst.msk $0xffff, v3  }
.LBB1_3:
0x31: {  	v3 =	vld [tilespmem:s18+$0x10];
	p1 =	sne.s32 s17, $0x1FC;
	[tilespmem:s15+$0x810 ss:$0x81] =	vst.msk $0xffff, v2;
	s19 =	smov.u32 s17;
	s17 =	sadd.s32 $0x4, s17  }
.Ltmp3:
0x32: {  	v2 =	vld [tilespmem:s18+$0xFFFFFFF0];
	[tilespmem:s15+$0x1020 ss:$0x81] =	vst.msk $0xffff, v0;
	(pc) =	sbr.rel @p1 .LBB1_3-.Ltmp3, $4  }
0x33: {  	v0 =	vld [tilespmem:s18+$0x0];
	[tilespmem:s15+$0x0 ss:$0x81] =	vst.msk $0xffff, v1  }
0x34: {  	s15 =	sshra.s32 s19, $0x2;
	v1 =	vld [tilespmem:s18+$0xFFFFFFE0]  }
0x35: {  	s15 =	sadd.s32 s15, s16  }
0x36: {  	s18 =	sadd.s32 $0x40, s18;
	[tilespmem:s15+$0x1830 ss:$0x81] =	vst.msk $0xffff, v3  }
.Ltmp4:
0x37: {  	_ = 	snop;
	(pc) =	sbr.rel .LBB1_4-.Ltmp4, $1  }
0x38: {  	_ =	sdelay $0x3  }
.LBB1_6:
0x39: {  	_ =	sfence.sel $0x180000  }
0x3a: {  	s2 =	simm.s32 $0x1;
	[bflag:$0x0] =	sbarrier.arrive $0xFFFF  }
0x3b: {  	s31 =	simm.s32 $0x2;
	[sflag:s2] =	ssyncpa.u1 $0x1  }
0x3c: {  	[sflag:s31] =	ssyncpa.u1 $0x1  }
0x3d: {  	p0 =	sne.s32 s0, $0x0;
	_ =	strace $0x9000004A  }
0x3e: {  	s0 =	sadd.s32 @!p0 $0x100000, s1;
	[bflag:$0x2] =	sbarrier.arrive $0xFFFF  }
0x3f: {  	[sflag:s0] =	ssyncadd.tile.s32 @!p0 $0x1;
	_ =	shalt  }
.Lfunc_end1:
_tile_overlayer_lowered:
.L_overlay_start_2:
0x40: {  	(tag) =	ssettag $0x2  }
0x41: {  	s0 =	rddreg [dreg:$0x0];
	s2 =	stileid.u32  }
0x42: {  	s1 =	rddreg [dreg:$0x1];
	p0 =	sne.s32 s2, $0x0  }
0x43: {  	s3 =	rddreg [dreg:$0x2];
	[bflag:$0x3] =	sbarrier.arrive $0xFFFF;
	s2 =	simm.s32 @!p0 $0x1C01  }
0x44: {  	[timem:s3], [sflag:s2] =	dma.local @!p0 [hbm:s0], s1  }
0x45: {  	s0 =	simm.s32 @!p0 $0x1  }
0x46: {  	_ =	swait.ge @!p0 [sflag:s0], s1  }
0x47: {  	s1 =	ssub.s32 @!p0 $0x0, s1;
	[sflag:s0] =	ssyncset.done @!p0 $0x0  }
0x48: {  	[sflag:s0] =	ssyncadd.s32 @!p0 s1  }
0x49: {  	[bflag:$0x3] =	sbarrier.arrive $0xFFFF  }
0x4a: {  	_ =	shalt  }

</sc_bundles>
